<compile_context>
chip_gen: v7x
topology: tpu7x:2x2x1
jax: 0.10.2.dev20260603
libtpu: 0.0.44.dev20260713+nightly
codegen_flags: <defaults>
</compile_context>

<pallas_src>
import functools

import jax
import jax.numpy as jnp
from jax import lax
from jax.experimental import pallas as pl
from jax.experimental.pallas import tpu as pltpu
from jax.experimental.pallas import tpu_sc as plsc

N_NODES = 10000
N_EDGES = 320000
D = 128

NC = 2
NS = 16
NW = NC * NS

EPT = N_EDGES // NW
KB = 125
NB = EPT // KB
N_PAD = 10240
ROWS_PER_TILE = N_PAD // NS

def _degree_body(dst_hbm, out_hbm, dst_v, degs_v):
    c = lax.axis_index("c")
    s = lax.axis_index("s")
    w = s * NC + c
    pltpu.sync_copy(dst_hbm.at[pl.ds(w * EPT, EPT)], dst_v)

    zeros = jnp.zeros((16,), jnp.float32)

    def zbody(i, _):
        degs_v[pl.ds(i * 16, 16)] = zeros
        return ()

    lax.fori_loop(0, N_NODES // 16, zbody, ())

    ones = jnp.ones((16,), jnp.float32)

    def body(i, _):
        idx = dst_v[pl.ds(i * 16, 16)]
        plsc.addupdate_scatter(degs_v, [idx], ones)
        return ()

    lax.fori_loop(0, EPT // 16, body, ())
    pltpu.sync_copy(degs_v, out_hbm.at[pl.ds(w * N_NODES, N_NODES)])


def _norm_body(degsp_ref, feat_ref, h_ref, norm_ref):
    degs = jnp.sum(degsp_ref[...], axis=0)
    norm = jnp.where(degs > 0.0, lax.rsqrt(degs), 0.0)
    nm = norm[:, None]
    h_ref[...] = feat_ref[...] * nm
    norm_ref[...] = nm


_norm_call = pl.pallas_call(
    _norm_body,
    out_shape=(
        jax.ShapeDtypeStruct((N_NODES, D), jnp.float32),
        jax.ShapeDtypeStruct((N_NODES, 1), jnp.float32),
    ),
)


HALF = NB // 2


def _agg_body(h_hbm, src_hbm, dst_hbm, zeros_hbm, out_hbm,
              acc, src_v, dst_v, rows, sem0, sem1):
    c = lax.axis_index("c")
    s = lax.axis_index("s")
    w = c * NS + s

    pltpu.sync_copy(zeros_hbm, acc.at[pl.ds(s * ROWS_PER_TILE, ROWS_PER_TILE)])
    plsc.subcore_barrier()

    def gather(j, buf, sem):
        return pltpu.async_copy(h_hbm.at[src_v.at[j]], rows.at[buf], sem)

    def run_half(hf):
        base = w * NB + hf * HALF
        pltpu.sync_copy(src_hbm.at[pl.ds(base, HALF)], src_v)
        pltpu.sync_copy(dst_hbm.at[pl.ds(base, HALF)], dst_v)
        gather(0, 0, sem0)

        def body(i, _):
            j0 = 2 * i
            j1 = j0 + 1
            gather(j1, 1, sem1)
            pltpu.make_async_copy(h_hbm.at[src_v.at[j0]], rows.at[0], sem0).wait()

            @pl.when(j0 + 2 < HALF)
            def _():
                gather(j0 + 2, 0, sem0)

            pltpu.make_async_copy(h_hbm.at[src_v.at[j1]], rows.at[1], sem1).wait()
            return ()

        lax.fori_loop(0, HALF // 2, body, ())

    run_half(0)
    run_half(1)

    plsc.subcore_barrier()
    pltpu.sync_copy(
        acc.at[pl.ds(s * ROWS_PER_TILE, ROWS_PER_TILE)],
        out_hbm.at[c].at[pl.ds(s * ROWS_PER_TILE, ROWS_PER_TILE)],
    )


def _linear_body(p_ref, norm_ref, wt_ref, b_ref, out_ref):
    hp = (p_ref[0][:N_NODES] + p_ref[1][:N_NODES]) * norm_ref[...]
    out_ref[...] = (
        jnp.dot(hp, wt_ref[...], precision=lax.Precision.HIGHEST) + b_ref[...]
    )


_linear_call = pl.pallas_call(
    _linear_body,
    out_shape=jax.ShapeDtypeStruct((N_NODES, D), jnp.float32),
)


@functools.cache
def _sc_kernels():
    mesh = plsc.VectorSubcoreMesh(
        core_axis_name="c", subcore_axis_name="s", num_cores=NC, num_subcores=NS
    )
    params = pltpu.CompilerParams(needs_layout_passes=False)
    degree_kernel = pl.kernel(
        _degree_body,
        out_type=jax.ShapeDtypeStruct((NW * N_NODES,), jnp.float32),
        mesh=mesh,
        compiler_params=params,
        scratch_types=[
            pltpu.VMEM((EPT,), jnp.int32),
            pltpu.VMEM((N_NODES,), jnp.float32),
        ],
    )
    agg_kernel = pl.kernel(
        _agg_body,
        out_type=jax.ShapeDtypeStruct((NC, N_PAD, D), jnp.float32),
        mesh=mesh,
        compiler_params=params,
        scratch_types=[
            pltpu.VMEM_SHARED((N_PAD, D), jnp.float32),
            pltpu.VMEM((HALF, KB), jnp.int32),
            pltpu.VMEM((HALF, KB), jnp.int32),
            pltpu.VMEM((2, KB, D), jnp.float32),
            pltpu.SemaphoreType.DMA,
            pltpu.SemaphoreType.DMA,
        ],
    )
    return degree_kernel, agg_kernel


def kernel(features, edge_index, W, b):
    ei = edge_index.astype(jnp.int32)
    src = ei[0]
    dst = ei[1]
    src2d = src.reshape(N_EDGES // KB, KB)
    dst2d = dst.reshape(N_EDGES // KB, KB)

    degree_kernel, agg_kernel = _sc_kernels()
    degs_partial = degree_kernel(dst).reshape(NW, N_NODES)
    h, norm = _norm_call(degs_partial, features)
    zeros = jnp.zeros((ROWS_PER_TILE, D), jnp.float32)
    partials = agg_kernel(h, src2d, dst2d, zeros)
    return _linear_call(partials, norm, W.T, b.reshape(1, D))

# --- scband reference (transcript-rebuilt; emitter-appended) ---
"""Pipeline reference for scband-gcnlayer-30605936951715 (READ-ONLY COPY).

The authoritative reference and input builder live on the scoring server;
editing this copy changes nothing except your own understanding.
"""

import jax, jax.numpy as jnp
import numpy as np

N_NODES = 10000
N_EDGES = 320000
D_IN = 128
D_OUT = 128


def setup_inputs(seed: int = 0) -> dict:
    key = jax.random.key(seed)
    k1, k2, k3, k4 = jax.random.split(key, 4)
    features = jax.random.normal(k1, (N_NODES, D_IN), dtype=jnp.float32)
    edge_index = jax.random.randint(k2, (2, N_EDGES), 0, N_NODES, dtype=jnp.int64)
    # Linear layer parameters (nn.Linear(in_dim, out_dim)): W [out, in], b [out]
    bound = 1.0 / np.sqrt(D_IN)
    W = jax.random.uniform(k3, (D_OUT, D_IN), minval=-bound, maxval=bound, dtype=jnp.float32)
    b = jax.random.uniform(k4, (D_OUT,), minval=-bound, maxval=bound, dtype=jnp.float32)
    return {"features": features, "edge_index": edge_index, "W": W, "b": b}


def reference(features, edge_index, W, b):
    src = edge_index[0]
    dst = edge_index[1]
    n = features.shape[0]
    # in-degrees (number of incoming edges per destination node)
    degs = jnp.zeros((n,), dtype=jnp.float32).at[dst].add(1.0)
    norm = jnp.power(degs, -0.5)
    norm = jnp.where(jnp.isinf(norm), 0.0, norm)
    norm = norm[:, None]
    # graph_norm pre-scaling
    h = features * norm
    # edge weights default to ones
    w_e = jnp.ones((edge_index.shape[1],), dtype=jnp.float32)
    # message: u_mul_e('h', 'w', 'm') ; reduce: sum('m', 'h')
    m = h[src] * w_e[:, None]
    h_agg = jnp.zeros_like(h).at[dst].add(m)
    # graph_norm post-scaling
    h_agg = h_agg * norm
    # linear
    out = h_agg @ W.T + b
    return out

if __name__ == "__main__":
    import jax
    _d = setup_inputs()
    print(jax.jit(kernel)(*tuple(_d.values())))

</pallas_src>

<mosaic_0001>
#map = affine_map<(d0, d1) -> (0)>
module attributes {stable_mosaic.version = 14 : i64} {
  func.func @_degree_body(%arg0: i32, %arg1: i32, %arg2: memref<320000xi32, #tpu.memory_space<hbm>>, %arg3: memref<320000xf32, #tpu.memory_space<hbm>>, %arg4: memref<10000xi32, #tpu.memory_space<vmem>>, %arg5: memref<10000xf32, #tpu.memory_space<vmem>>) attributes {dimension_semantics = [#tpu.dimension_semantics<core_parallel>, #tpu.dimension_semantics<subcore_parallel>], iteration_bounds = array<i64: 2, 16>, scalar_prefetch = 0 : i64, scratch_operands = 2 : i64, tpu.core_type = #tpu.core_type<sc_vector_subcore>, window_params = [{transform_indices = #map}, {transform_indices = #map}]} {
    %mul3A = arith.constant 2 : i32
    %mul3A_0 = arith.muli %arg1, %mul3A : i32
    %add3A = arith.addi %mul3A_0, %arg0 : i32
    %mul3A_1 = arith.constant 10000 : i32
    %mul3A_2 = arith.muli %add3A, %mul3A_1 : i32
    "tpu.region"() ({
      %run_scoped3A = tpu.sem_alloc : memref<!tpu.dma_semaphore, #tpu.memory_space<semaphore_mem>>
      %dma_start3A = tpu.memref_slice %arg2[%mul3A_2] : memref<320000xi32, #tpu.memory_space<hbm>> -> memref<10000xi32, #tpu.memory_space<hbm>>
      %dma_start3A_17 = tpu.memref_slice %arg2[%mul3A_2] : memref<320000xi32, #tpu.memory_space<hbm>> -> memref<10000xi32, #tpu.memory_space<hbm>>
      tpu.enqueue_dma source(%dma_start3A_17 : memref<10000xi32, #tpu.memory_space<hbm>>) target(%arg4 : memref<10000xi32, #tpu.memory_space<vmem>>) target_semaphore(%run_scoped3A : memref<!tpu.dma_semaphore, #tpu.memory_space<semaphore_mem>>)
      %dma_wait3A = tpu.memref_slice %arg2[%mul3A_2] : memref<320000xi32, #tpu.memory_space<hbm>> -> memref<10000xi32, #tpu.memory_space<hbm>>
      %dma_wait3A_18 = tpu.memref_slice %arg2[%mul3A_2] : memref<320000xi32, #tpu.memory_space<hbm>> -> memref<10000xi32, #tpu.memory_space<hbm>>
      tpu.wait_dma2 semaphore(%run_scoped3A : memref<!tpu.dma_semaphore, #tpu.memory_space<semaphore_mem>>) src(%dma_wait3A_18 : memref<10000xi32, #tpu.memory_space<hbm>>) dst(%arg4 : memref<10000xi32, #tpu.memory_space<vmem>>)
      tpu.yield
    }) : () -> ()
    %broadcast_in_dim3A = arith.constant 0.000000e+00 : f32
    %broadcast_in_dim3A_3 = vector.broadcast %broadcast_in_dim3A : f32 to vector<16xf32>
    %scan3A = arith.constant 0 : i32
    %scan3A_4 = arith.constant 625 : i32
    %scan3A_5 = arith.addi %scan3A, %scan3A_4 : i32
    %scan3A_6 = arith.constant 1 : i32
    scf.for %scan3A_17 = %scan3A to %scan3A_5 step %scan3A_6  : i32 {
      %mul3A_18 = arith.constant 16 : i32
      %mul3A_19 = arith.muli %scan3A_17, %mul3A_18 : i32
      %swap3A = arith.index_cast %mul3A_19 : i32 to index
      %swap3A_20 = tpu.vector_load %arg5[%swap3A] {strides = array<i32>} : memref<10000xf32, #tpu.memory_space<vmem>>, vector<16xf32>,
      tpu.vector_store %arg5[%swap3A], %broadcast_in_dim3A_3 {strides = array<i32>} : memref<10000xf32, #tpu.memory_space<vmem>>, vector<16xf32>,
    }
    %scan3A_7 = arith.constant 625 : i32
    %broadcast_in_dim3A_8 = arith.constant 1.000000e+00 : f32
    %broadcast_in_dim3A_9 = vector.broadcast %broadcast_in_dim3A_8 : f32 to vector<16xf32>
    %scan3A_10 = arith.constant 0 : i32
    %scan3A_11 = arith.constant 625 : i32
    %scan3A_12 = arith.addi %scan3A_10, %scan3A_11 : i32
    %scan3A_13 = arith.constant 1 : i32
    scf.for %scan3A_17 = %scan3A_10 to %scan3A_12 step %scan3A_13  : i32 {
      %mul3A_18 = arith.constant 16 : i32
      %mul3A_19 = arith.muli %scan3A_17, %mul3A_18 : i32
      %get3A = arith.index_cast %mul3A_19 : i32 to index
      %get3A_20 = tpu.vector_load %arg4[%get3A] {strides = array<i32>} : memref<10000xi32, #tpu.memory_space<vmem>>, vector<16xi32>,
      tpu.vector_store_idx %arg5[%get3A_20], %broadcast_in_dim3A_9 {add = true} : memref<10000xf32, #tpu.memory_space<vmem>>[vector<16xi32>], vector<16xf32>,
    }
    %scan3A_14 = arith.constant 625 : i32
    %mul3A_15 = arith.constant 10000 : i32
    %mul3A_16 = arith.muli %add3A, %mul3A_15 : i32
    "tpu.region"() ({
      %run_scoped3A = tpu.sem_alloc : memref<!tpu.dma_semaphore, #tpu.memory_space<semaphore_mem>>
      %dma_start3A = tpu.memref_slice %arg3[%mul3A_16] : memref<320000xf32, #tpu.memory_space<hbm>> -> memref<10000xf32, #tpu.memory_space<hbm>>
      %dma_start3A_17 = tpu.memref_slice %arg3[%mul3A_16] : memref<320000xf32, #tpu.memory_space<hbm>> -> memref<10000xf32, #tpu.memory_space<hbm>>
      tpu.enqueue_dma source(%arg5 : memref<10000xf32, #tpu.memory_space<vmem>>) target(%dma_start3A_17 : memref<10000xf32, #tpu.memory_space<hbm>>) target_semaphore(%run_scoped3A : memref<!tpu.dma_semaphore, #tpu.memory_space<semaphore_mem>>)
      %dma_wait3A = tpu.memref_slice %arg3[%mul3A_16] : memref<320000xf32, #tpu.memory_space<hbm>> -> memref<10000xf32, #tpu.memory_space<hbm>>
      %dma_wait3A_18 = tpu.memref_slice %arg3[%mul3A_16] : memref<320000xf32, #tpu.memory_space<hbm>> -> memref<10000xf32, #tpu.memory_space<hbm>>
      tpu.wait_dma2 semaphore(%run_scoped3A : memref<!tpu.dma_semaphore, #tpu.memory_space<semaphore_mem>>) src(%arg5 : memref<10000xf32, #tpu.memory_space<vmem>>) dst(%dma_wait3A_18 : memref<10000xf32, #tpu.memory_space<hbm>>)
      tpu.yield
    }) : () -> ()
    return
  }
}

#map = affine_map<(d0, d1) -> (0, 0)>
#map1 = affine_map<(d0, d1) -> (0, 0, 0)>
module attributes {stable_mosaic.version = 14 : i64} {
  func.func @_agg_body(%arg0: i32, %arg1: i32, %arg2: memref<10000x128xf32, #tpu.memory_space<hbm>>, %arg3: memref<2560x125xi32, #tpu.memory_space<hbm>>, %arg4: memref<2560x125xi32, #tpu.memory_space<hbm>>, %arg5: memref<640x128xf32, #tpu.memory_space<hbm>>, %arg6: memref<2x10240x128xf32, #tpu.memory_space<hbm>>, %arg7: memref<10240x128xf32, #tpu.memory_space<vmem_shared>>, %arg8: memref<40x125xi32, #tpu.memory_space<vmem>>, %arg9: memref<40x125xi32, #tpu.memory_space<vmem>>, %arg10: memref<2x125x128xf32, #tpu.memory_space<vmem>>, %arg11: memref<!tpu.dma_semaphore, #tpu.memory_space<semaphore_mem>>, %arg12: memref<!tpu.dma_semaphore, #tpu.memory_space<semaphore_mem>>) attributes {dimension_semantics = [#tpu.dimension_semantics<core_parallel>, #tpu.dimension_semantics<subcore_parallel>], iteration_bounds = array<i64: 2, 16>, scalar_prefetch = 0 : i64, scratch_operands = 6 : i64, tpu.core_type = #tpu.core_type<sc_vector_subcore>, window_params = [{transform_indices = #map}, {transform_indices = #map}, {transform_indices = #map}, {transform_indices = #map}, {transform_indices = #map1}]} {
    %mul3A = arith.constant 16 : i32
    %mul3A_0 = arith.muli %arg0, %mul3A : i32
    %add3A = arith.addi %mul3A_0, %arg1 : i32
    %mul3A_1 = arith.constant 640 : i32
    %mul3A_2 = arith.muli %arg1, %mul3A_1 : i32
    "tpu.region"() ({
      %run_scoped3A = tpu.sem_alloc : memref<!tpu.dma_semaphore, #tpu.memory_space<semaphore_mem>>
      %dma_start3A_48 = arith.constant 0 : i32
      %dma_start3A_49 = tpu.memref_slice %arg7[%mul3A_2, %dma_start3A_48] : memref<10240x128xf32, #tpu.memory_space<vmem_shared>> -> memref<640x128xf32, #tpu.memory_space<vmem_shared>>
      tpu.enqueue_dma source(%arg5 : memref<640x128xf32, #tpu.memory_space<hbm>>) target(%dma_start3A_49 : memref<640x128xf32, #tpu.memory_space<vmem_shared>>) target_semaphore(%run_scoped3A : memref<!tpu.dma_semaphore, #tpu.memory_space<semaphore_mem>>)
      %dma_wait3A = arith.constant 0 : i32
      %dma_wait3A_50 = tpu.memref_slice %arg7[%mul3A_2, %dma_wait3A] : memref<10240x128xf32, #tpu.memory_space<vmem_shared>> -> memref<640x128xf32, #tpu.memory_space<vmem_shared>>
      tpu.wait_dma2 semaphore(%run_scoped3A : memref<!tpu.dma_semaphore, #tpu.memory_space<semaphore_mem>>) src(%arg5 : memref<640x128xf32, #tpu.memory_space<hbm>>) dst(%dma_wait3A_50 : memref<640x128xf32, #tpu.memory_space<vmem_shared>>)
      tpu.yield
    }) : () -> ()
    %barrier3A = arith.constant 0 : index
    tpu.barrier barrier_id(%barrier3A)
    %mul3A_3 = arith.constant 80 : i32
    %mul3A_4 = arith.muli %add3A, %mul3A_3 : i32
    %add3A_5 = arith.constant 0 : i32
    %add3A_6 = arith.addi %mul3A_4, %add3A_5 : i32
    "tpu.region"() ({
      %run_scoped3A = tpu.sem_alloc : memref<!tpu.dma_semaphore, #tpu.memory_space<semaphore_mem>>
      %dma_start3A_48 = arith.constant 0 : i32
      %dma_start3A_49 = tpu.memref_slice %arg3[%add3A_6, %dma_start3A_48] : memref<2560x125xi32, #tpu.memory_space<hbm>> -> memref<40x125xi32, #tpu.memory_space<hbm>>
      %dma_start3A_50 = arith.constant 0 : i32
      %dma_start3A_51 = tpu.memref_slice %arg3[%add3A_6, %dma_start3A_50] : memref<2560x125xi32, #tpu.memory_space<hbm>> -> memref<40x125xi32, #tpu.memory_space<hbm>>
      tpu.enqueue_dma source(%dma_start3A_51 : memref<40x125xi32, #tpu.memory_space<hbm>>) target(%arg8 : memref<40x125xi32, #tpu.memory_space<vmem>>) target_semaphore(%run_scoped3A : memref<!tpu.dma_semaphore, #tpu.memory_space<semaphore_mem>>)
      %dma_wait3A = arith.constant 0 : i32
      %dma_wait3A_52 = tpu.memref_slice %arg3[%add3A_6, %dma_wait3A] : memref<2560x125xi32, #tpu.memory_space<hbm>> -> memref<40x125xi32, #tpu.memory_space<hbm>>
      %dma_wait3A_53 = arith.constant 0 : i32
      %dma_wait3A_54 = tpu.memref_slice %arg3[%add3A_6, %dma_wait3A_53] : memref<2560x125xi32, #tpu.memory_space<hbm>> -> memref<40x125xi32, #tpu.memory_space<hbm>>
      tpu.wait_dma2 semaphore(%run_scoped3A : memref<!tpu.dma_semaphore, #tpu.memory_space<semaphore_mem>>) src(%dma_wait3A_54 : memref<40x125xi32, #tpu.memory_space<hbm>>) dst(%arg8 : memref<40x125xi32, #tpu.memory_space<vmem>>)
      tpu.yield
    }) : () -> ()
    "tpu.region"() ({
      %run_scoped3A = tpu.sem_alloc : memref<!tpu.dma_semaphore, #tpu.memory_space<semaphore_mem>>
      %dma_start3A_48 = arith.constant 0 : i32
      %dma_start3A_49 = tpu.memref_slice %arg4[%add3A_6, %dma_start3A_48] : memref<2560x125xi32, #tpu.memory_space<hbm>> -> memref<40x125xi32, #tpu.memory_space<hbm>>
      %dma_start3A_50 = arith.constant 0 : i32
      %dma_start3A_51 = tpu.memref_slice %arg4[%add3A_6, %dma_start3A_50] : memref<2560x125xi32, #tpu.memory_space<hbm>> -> memref<40x125xi32, #tpu.memory_space<hbm>>
      tpu.enqueue_dma source(%dma_start3A_51 : memref<40x125xi32, #tpu.memory_space<hbm>>) target(%arg9 : memref<40x125xi32, #tpu.memory_space<vmem>>) target_semaphore(%run_scoped3A : memref<!tpu.dma_semaphore, #tpu.memory_space<semaphore_mem>>)
      %dma_wait3A = arith.constant 0 : i32
      %dma_wait3A_52 = tpu.memref_slice %arg4[%add3A_6, %dma_wait3A] : memref<2560x125xi32, #tpu.memory_space<hbm>> -> memref<40x125xi32, #tpu.memory_space<hbm>>
      %dma_wait3A_53 = arith.constant 0 : i32
      %dma_wait3A_54 = tpu.memref_slice %arg4[%add3A_6, %dma_wait3A_53] : memref<2560x125xi32, #tpu.memory_space<hbm>> -> memref<40x125xi32, #tpu.memory_space<hbm>>
      tpu.wait_dma2 semaphore(%run_scoped3A : memref<!tpu.dma_semaphore, #tpu.memory_space<semaphore_mem>>) src(%dma_wait3A_54 : memref<40x125xi32, #tpu.memory_space<hbm>>) dst(%arg9 : memref<40x125xi32, #tpu.memory_space<vmem>>)
      tpu.yield
    }) : () -> ()
    %dma_start3A = arith.constant 0 : i32
    %dma_start3A_7 = arith.constant 0 : i32
    %dma_start3A_8 = arith.constant 0 : i32
    %dma_start3A_9 = arith.constant 0 : i32
    %dma_start3A_10 = tpu.memref_slice %arg10[%dma_start3A_7, %dma_start3A_8, %dma_start3A_9] : memref<2x125x128xf32, #tpu.memory_space<vmem>> -> memref<1x125x128xf32, #tpu.memory_space<vmem>>
    %dma_start3A_11 = tpu.memref_squeeze %dma_start3A_10 : memref<1x125x128xf32, #tpu.memory_space<vmem>> -> memref<125x128xf32, #tpu.memory_space<vmem>>
    %dma_start3A_12 = arith.constant 0 : i32
    %dma_start3A_13 = tpu.memref_slice %arg8[%dma_start3A, %dma_start3A_12] : memref<40x125xi32, #tpu.memory_space<vmem>> -> memref<1x125xi32, #tpu.memory_space<vmem>>
    %dma_start3A_14 = tpu.memref_squeeze %dma_start3A_13 : memref<1x125xi32, #tpu.memory_space<vmem>> -> memref<125xi32, #tpu.memory_space<vmem>>
    %dma_start3A_15 = arith.constant 0 : i32
    %dma_start3A_16 = arith.constant 0 : i32
    %dma_start3A_17 = tpu.memref_slice %arg2[%dma_start3A_15, %dma_start3A_16] : memref<10000x128xf32, #tpu.memory_space<hbm>> -> memref<10000x128xf32, #tpu.memory_space<hbm>>
    tpu.enqueue_indirect_dma source(%dma_start3A_17 : memref<10000x128xf32, #tpu.memory_space<hbm>>) target(%dma_start3A_11 : memref<125x128xf32, #tpu.memory_space<vmem>>) offsets(%dma_start3A_14 : memref<125xi32, #tpu.memory_space<vmem>>) semaphore(%arg11 : memref<!tpu.dma_semaphore, #tpu.memory_space<semaphore_mem>>)
    %scan3A = arith.constant 0 : i32
    %scan3A_18 = arith.constant 20 : i32
    %scan3A_19 = arith.addi %scan3A, %scan3A_18 : i32
    %scan3A_20 = arith.constant 1 : i32
    scf.for %scan3A_48 = %scan3A to %scan3A_19 step %scan3A_20  : i32 {
      %mul3A_49 = arith.constant 2 : i32
      %mul3A_50 = arith.muli %mul3A_49, %scan3A_48 : i32
      %add3A_51 = arith.constant 1 : i32
      %add3A_52 = arith.addi %mul3A_50, %add3A_51 : i32
      %dma_start3A_53 = arith.constant 1 : i32
      %dma_start3A_54 = arith.constant 0 : i32
      %dma_start3A_55 = arith.constant 0 : i32
      %dma_start3A_56 = tpu.memref_slice %arg10[%dma_start3A_53, %dma_start3A_54, %dma_start3A_55] : memref<2x125x128xf32, #tpu.memory_space<vmem>> -> memref<1x125x128xf32, #tpu.memory_space<vmem>>
      %dma_start3A_57 = tpu.memref_squeeze %dma_start3A_56 : memref<1x125x128xf32, #tpu.memory_space<vmem>> -> memref<125x128xf32, #tpu.memory_space<vmem>>
      %dma_start3A_58 = arith.constant 0 : i32
      %dma_start3A_59 = tpu.memref_slice %arg8[%add3A_52, %dma_start3A_58] : memref<40x125xi32, #tpu.memory_space<vmem>> -> memref<1x125xi32, #tpu.memory_space<vmem>>
      %dma_start3A_60 = tpu.memref_squeeze %dma_start3A_59 : memref<1x125xi32, #tpu.memory_space<vmem>> -> memref<125xi32, #tpu.memory_space<vmem>>
      %dma_start3A_61 = arith.constant 0 : i32
      %dma_start3A_62 = arith.constant 0 : i32
      %dma_start3A_63 = tpu.memref_slice %arg2[%dma_start3A_61, %dma_start3A_62] : memref<10000x128xf32, #tpu.memory_space<hbm>> -> memref<10000x128xf32, #tpu.memory_space<hbm>>
      tpu.enqueue_indirect_dma source(%dma_start3A_63 : memref<10000x128xf32, #tpu.memory_space<hbm>>) target(%dma_start3A_57 : memref<125x128xf32, #tpu.memory_space<vmem>>) offsets(%dma_start3A_60 : memref<125xi32, #tpu.memory_space<vmem>>) semaphore(%arg12 : memref<!tpu.dma_semaphore, #tpu.memory_space<semaphore_mem>>)
      %dma_wait3A = arith.constant 0 : i32
      %dma_wait3A_64 = arith.constant 0 : i32
      %dma_wait3A_65 = arith.constant 0 : i32
      %dma_wait3A_66 = tpu.memref_slice %arg10[%dma_wait3A, %dma_wait3A_64, %dma_wait3A_65] : memref<2x125x128xf32, #tpu.memory_space<vmem>> -> memref<1x125x128xf32, #tpu.memory_space<vmem>>
      %dma_wait3A_67 = tpu.memref_squeeze %dma_wait3A_66 : memref<1x125x128xf32, #tpu.memory_space<vmem>> -> memref<125x128xf32, #tpu.memory_space<vmem>>
      %dma_wait3A_68 = arith.constant 0 : i32
      %dma_wait3A_69 = tpu.memref_slice %arg8[%mul3A_50, %dma_wait3A_68] : memref<40x125xi32, #tpu.memory_space<vmem>> -> memref<1x125xi32, #tpu.memory_space<vmem>>
      %dma_wait3A_70 = tpu.memref_squeeze %dma_wait3A_69 : memref<1x125xi32, #tpu.memory_space<vmem>> -> memref<125xi32, #tpu.memory_space<vmem>>
      %dma_wait3A_71 = arith.constant 0 : i32
      %dma_wait3A_72 = arith.constant 0 : i32
      %dma_wait3A_73 = tpu.memref_slice %arg2[%dma_wait3A_71, %dma_wait3A_72] : memref<10000x128xf32, #tpu.memory_space<hbm>> -> memref<10000x128xf32, #tpu.memory_space<hbm>>
      tpu.wait_indirect_dma semaphore(%arg11 : memref<!tpu.dma_semaphore, #tpu.memory_space<semaphore_mem>>) src(%dma_wait3A_73 : memref<10000x128xf32, #tpu.memory_space<hbm>>) dst(%dma_wait3A_67 : memref<125x128xf32, #tpu.memory_space<vmem>>)
      %add3A_74 = arith.constant 2 : i32
      %add3A_75 = arith.addi %mul3A_50, %add3A_74 : i32
      %lt3A = arith.constant 40 : i32
      %lt3A_76 = arith.cmpi slt, %add3A_75, %lt3A : i32
      %convert_element_type3A = arith.extui %lt3A_76 : i1 to i32
      %cond3A = arith.constant 0 : i32
      %cond3A_77 = arith.cmpi ne, %convert_element_type3A, %cond3A : i32
      scf.if %cond3A_77 {
        %add3A_89 = arith.constant 2 : i32
        %add3A_90 = arith.addi %mul3A_50, %add3A_89 : i32
        %dma_start3A_91 = arith.constant 0 : i32
        %dma_start3A_92 = arith.constant 0 : i32
        %dma_start3A_93 = arith.constant 0 : i32
        %dma_start3A_94 = tpu.memref_slice %arg10[%dma_start3A_91, %dma_start3A_92, %dma_start3A_93] : memref<2x125x128xf32, #tpu.memory_space<vmem>> -> memref<1x125x128xf32, #tpu.memory_space<vmem>>
        %dma_start3A_95 = tpu.memref_squeeze %dma_start3A_94 : memref<1x125x128xf32, #tpu.memory_space<vmem>> -> memref<125x128xf32, #tpu.memory_space<vmem>>
        %dma_start3A_96 = arith.constant 0 : i32
        %dma_start3A_97 = tpu.memref_slice %arg8[%add3A_90, %dma_start3A_96] : memref<40x125xi32, #tpu.memory_space<vmem>> -> memref<1x125xi32, #tpu.memory_space<vmem>>
        %dma_start3A_98 = tpu.memref_squeeze %dma_start3A_97 : memref<1x125xi32, #tpu.memory_space<vmem>> -> memref<125xi32, #tpu.memory_space<vmem>>
        %dma_start3A_99 = arith.constant 0 : i32
        %dma_start3A_100 = arith.constant 0 : i32
        %dma_start3A_101 = tpu.memref_slice %arg2[%dma_start3A_99, %dma_start3A_100] : memref<10000x128xf32, #tpu.memory_space<hbm>> -> memref<10000x128xf32, #tpu.memory_space<hbm>>
        tpu.enqueue_indirect_dma source(%dma_start3A_101 : memref<10000x128xf32, #tpu.memory_space<hbm>>) target(%dma_start3A_95 : memref<125x128xf32, #tpu.memory_space<vmem>>) offsets(%dma_start3A_98 : memref<125xi32, #tpu.memory_space<vmem>>) semaphore(%arg11 : memref<!tpu.dma_semaphore, #tpu.memory_space<semaphore_mem>>)
      } else {
      }
      %dma_wait3A_78 = arith.constant 1 : i32
      %dma_wait3A_79 = arith.constant 0 : i32
      %dma_wait3A_80 = arith.constant 0 : i32
      %dma_wait3A_81 = tpu.memref_slice %arg10[%dma_wait3A_78, %dma_wait3A_79, %dma_wait3A_80] : memref<2x125x128xf32, #tpu.memory_space<vmem>> -> memref<1x125x128xf32, #tpu.memory_space<vmem>>
      %dma_wait3A_82 = tpu.memref_squeeze %dma_wait3A_81 : memref<1x125x128xf32, #tpu.memory_space<vmem>> -> memref<125x128xf32, #tpu.memory_space<vmem>>
      %dma_wait3A_83 = arith.constant 0 : i32
      %dma_wait3A_84 = tpu.memref_slice %arg8[%add3A_52, %dma_wait3A_83] : memref<40x125xi32, #tpu.memory_space<vmem>> -> memref<1x125xi32, #tpu.memory_space<vmem>>
      %dma_wait3A_85 = tpu.memref_squeeze %dma_wait3A_84 : memref<1x125xi32, #tpu.memory_space<vmem>> -> memref<125xi32, #tpu.memory_space<vmem>>
      %dma_wait3A_86 = arith.constant 0 : i32
      %dma_wait3A_87 = arith.constant 0 : i32
      %dma_wait3A_88 = tpu.memref_slice %arg2[%dma_wait3A_86, %dma_wait3A_87] : memref<10000x128xf32, #tpu.memory_space<hbm>> -> memref<10000x128xf32, #tpu.memory_space<hbm>>
      tpu.wait_indirect_dma semaphore(%arg12 : memref<!tpu.dma_semaphore, #tpu.memory_space<semaphore_mem>>) src(%dma_wait3A_88 : memref<10000x128xf32, #tpu.memory_space<hbm>>) dst(%dma_wait3A_82 : memref<125x128xf32, #tpu.memory_space<vmem>>)
    }
    %scan3A_21 = arith.constant 20 : i32
    %mul3A_22 = arith.constant 80 : i32
    %mul3A_23 = arith.muli %add3A, %mul3A_22 : i32
    %add3A_24 = arith.constant 40 : i32
    %add3A_25 = arith.addi %mul3A_23, %add3A_24 : i32
    "tpu.region"() ({
      %run_scoped3A = tpu.sem_alloc : memref<!tpu.dma_semaphore, #tpu.memory_space<semaphore_mem>>
      %dma_start3A_48 = arith.constant 0 : i32
      %dma_start3A_49 = tpu.memref_slice %arg3[%add3A_25, %dma_start3A_48] : memref<2560x125xi32, #tpu.memory_space<hbm>> -> memref<40x125xi32, #tpu.memory_space<hbm>>
      %dma_start3A_50 = arith.constant 0 : i32
      %dma_start3A_51 = tpu.memref_slice %arg3[%add3A_25, %dma_start3A_50] : memref<2560x125xi32, #tpu.memory_space<hbm>> -> memref<40x125xi32, #tpu.memory_space<hbm>>
      tpu.enqueue_dma source(%dma_start3A_51 : memref<40x125xi32, #tpu.memory_space<hbm>>) target(%arg8 : memref<40x125xi32, #tpu.memory_space<vmem>>) target_semaphore(%run_scoped3A : memref<!tpu.dma_semaphore, #tpu.memory_space<semaphore_mem>>)
      %dma_wait3A = arith.constant 0 : i32
      %dma_wait3A_52 = tpu.memref_slice %arg3[%add3A_25, %dma_wait3A] : memref<2560x125xi32, #tpu.memory_space<hbm>> -> memref<40x125xi32, #tpu.memory_space<hbm>>
      %dma_wait3A_53 = arith.constant 0 : i32
      %dma_wait3A_54 = tpu.memref_slice %arg3[%add3A_25, %dma_wait3A_53] : memref<2560x125xi32, #tpu.memory_space<hbm>> -> memref<40x125xi32, #tpu.memory_space<hbm>>
      tpu.wait_dma2 semaphore(%run_scoped3A : memref<!tpu.dma_semaphore, #tpu.memory_space<semaphore_mem>>) src(%dma_wait3A_54 : memref<40x125xi32, #tpu.memory_space<hbm>>) dst(%arg8 : memref<40x125xi32, #tpu.memory_space<vmem>>)
      tpu.yield
    }) : () -> ()
    "tpu.region"() ({
      %run_scoped3A = tpu.sem_alloc : memref<!tpu.dma_semaphore, #tpu.memory_space<semaphore_mem>>
      %dma_start3A_48 = arith.constant 0 : i32
      %dma_start3A_49 = tpu.memref_slice %arg4[%add3A_25, %dma_start3A_48] : memref<2560x125xi32, #tpu.memory_space<hbm>> -> memref<40x125xi32, #tpu.memory_space<hbm>>
      %dma_start3A_50 = arith.constant 0 : i32
      %dma_start3A_51 = tpu.memref_slice %arg4[%add3A_25, %dma_start3A_50] : memref<2560x125xi32, #tpu.memory_space<hbm>> -> memref<40x125xi32, #tpu.memory_space<hbm>>
      tpu.enqueue_dma source(%dma_start3A_51 : memref<40x125xi32, #tpu.memory_space<hbm>>) target(%arg9 : memref<40x125xi32, #tpu.memory_space<vmem>>) target_semaphore(%run_scoped3A : memref<!tpu.dma_semaphore, #tpu.memory_space<semaphore_mem>>)
      %dma_wait3A = arith.constant 0 : i32
      %dma_wait3A_52 = tpu.memref_slice %arg4[%add3A_25, %dma_wait3A] : memref<2560x125xi32, #tpu.memory_space<hbm>> -> memref<40x125xi32, #tpu.memory_space<hbm>>
      %dma_wait3A_53 = arith.constant 0 : i32
      %dma_wait3A_54 = tpu.memref_slice %arg4[%add3A_25, %dma_wait3A_53] : memref<2560x125xi32, #tpu.memory_space<hbm>> -> memref<40x125xi32, #tpu.memory_space<hbm>>
      tpu.wait_dma2 semaphore(%run_scoped3A : memref<!tpu.dma_semaphore, #tpu.memory_space<semaphore_mem>>) src(%dma_wait3A_54 : memref<40x125xi32, #tpu.memory_space<hbm>>) dst(%arg9 : memref<40x125xi32, #tpu.memory_space<vmem>>)
      tpu.yield
    }) : () -> ()
    %dma_start3A_26 = arith.constant 0 : i32
    %dma_start3A_27 = arith.constant 0 : i32
    %dma_start3A_28 = arith.constant 0 : i32
    %dma_start3A_29 = arith.constant 0 : i32
    %dma_start3A_30 = tpu.memref_slice %arg10[%dma_start3A_27, %dma_start3A_28, %dma_start3A_29] : memref<2x125x128xf32, #tpu.memory_space<vmem>> -> memref<1x125x128xf32, #tpu.memory_space<vmem>>
    %dma_start3A_31 = tpu.memref_squeeze %dma_start3A_30 : memref<1x125x128xf32, #tpu.memory_space<vmem>> -> memref<125x128xf32, #tpu.memory_space<vmem>>
    %dma_start3A_32 = arith.constant 0 : i32
    %dma_start3A_33 = tpu.memref_slice %arg8[%dma_start3A_26, %dma_start3A_32] : memref<40x125xi32, #tpu.memory_space<vmem>> -> memref<1x125xi32, #tpu.memory_space<vmem>>
    %dma_start3A_34 = tpu.memref_squeeze %dma_start3A_33 : memref<1x125xi32, #tpu.memory_space<vmem>> -> memref<125xi32, #tpu.memory_space<vmem>>
    %dma_start3A_35 = arith.constant 0 : i32
    %dma_start3A_36 = arith.constant 0 : i32
    %dma_start3A_37 = tpu.memref_slice %arg2[%dma_start3A_35, %dma_start3A_36] : memref<10000x128xf32, #tpu.memory_space<hbm>> -> memref<10000x128xf32, #tpu.memory_space<hbm>>
    tpu.enqueue_indirect_dma source(%dma_start3A_37 : memref<10000x128xf32, #tpu.memory_space<hbm>>) target(%dma_start3A_31 : memref<125x128xf32, #tpu.memory_space<vmem>>) offsets(%dma_start3A_34 : memref<125xi32, #tpu.memory_space<vmem>>) semaphore(%arg11 : memref<!tpu.dma_semaphore, #tpu.memory_space<semaphore_mem>>)
    %scan3A_38 = arith.constant 0 : i32
    %scan3A_39 = arith.constant 20 : i32
    %scan3A_40 = arith.addi %scan3A_38, %scan3A_39 : i32
    %scan3A_41 = arith.constant 1 : i32
    scf.for %scan3A_48 = %scan3A_38 to %scan3A_40 step %scan3A_41  : i32 {
      %mul3A_49 = arith.constant 2 : i32
      %mul3A_50 = arith.muli %mul3A_49, %scan3A_48 : i32
      %add3A_51 = arith.constant 1 : i32
      %add3A_52 = arith.addi %mul3A_50, %add3A_51 : i32
      %dma_start3A_53 = arith.constant 1 : i32
      %dma_start3A_54 = arith.constant 0 : i32
      %dma_start3A_55 = arith.constant 0 : i32
      %dma_start3A_56 = tpu.memref_slice %arg10[%dma_start3A_53, %dma_start3A_54, %dma_start3A_55] : memref<2x125x128xf32, #tpu.memory_space<vmem>> -> memref<1x125x128xf32, #tpu.memory_space<vmem>>
      %dma_start3A_57 = tpu.memref_squeeze %dma_start3A_56 : memref<1x125x128xf32, #tpu.memory_space<vmem>> -> memref<125x128xf32, #tpu.memory_space<vmem>>
      %dma_start3A_58 = arith.constant 0 : i32
      %dma_start3A_59 = tpu.memref_slice %arg8[%add3A_52, %dma_start3A_58] : memref<40x125xi32, #tpu.memory_space<vmem>> -> memref<1x125xi32, #tpu.memory_space<vmem>>
      %dma_start3A_60 = tpu.memref_squeeze %dma_start3A_59 : memref<1x125xi32, #tpu.memory_space<vmem>> -> memref<125xi32, #tpu.memory_space<vmem>>
      %dma_start3A_61 = arith.constant 0 : i32
      %dma_start3A_62 = arith.constant 0 : i32
      %dma_start3A_63 = tpu.memref_slice %arg2[%dma_start3A_61, %dma_start3A_62] : memref<10000x128xf32, #tpu.memory_space<hbm>> -> memref<10000x128xf32, #tpu.memory_space<hbm>>
      tpu.enqueue_indirect_dma source(%dma_start3A_63 : memref<10000x128xf32, #tpu.memory_space<hbm>>) target(%dma_start3A_57 : memref<125x128xf32, #tpu.memory_space<vmem>>) offsets(%dma_start3A_60 : memref<125xi32, #tpu.memory_space<vmem>>) semaphore(%arg12 : memref<!tpu.dma_semaphore, #tpu.memory_space<semaphore_mem>>)
      %dma_wait3A = arith.constant 0 : i32
      %dma_wait3A_64 = arith.constant 0 : i32
      %dma_wait3A_65 = arith.constant 0 : i32
      %dma_wait3A_66 = tpu.memref_slice %arg10[%dma_wait3A, %dma_wait3A_64, %dma_wait3A_65] : memref<2x125x128xf32, #tpu.memory_space<vmem>> -> memref<1x125x128xf32, #tpu.memory_space<vmem>>
      %dma_wait3A_67 = tpu.memref_squeeze %dma_wait3A_66 : memref<1x125x128xf32, #tpu.memory_space<vmem>> -> memref<125x128xf32, #tpu.memory_space<vmem>>
      %dma_wait3A_68 = arith.constant 0 : i32
      %dma_wait3A_69 = tpu.memref_slice %arg8[%mul3A_50, %dma_wait3A_68] : memref<40x125xi32, #tpu.memory_space<vmem>> -> memref<1x125xi32, #tpu.memory_space<vmem>>
      %dma_wait3A_70 = tpu.memref_squeeze %dma_wait3A_69 : memref<1x125xi32, #tpu.memory_space<vmem>> -> memref<125xi32, #tpu.memory_space<vmem>>
      %dma_wait3A_71 = arith.constant 0 : i32
      %dma_wait3A_72 = arith.constant 0 : i32
      %dma_wait3A_73 = tpu.memref_slice %arg2[%dma_wait3A_71, %dma_wait3A_72] : memref<10000x128xf32, #tpu.memory_space<hbm>> -> memref<10000x128xf32, #tpu.memory_space<hbm>>
      tpu.wait_indirect_dma semaphore(%arg11 : memref<!tpu.dma_semaphore, #tpu.memory_space<semaphore_mem>>) src(%dma_wait3A_73 : memref<10000x128xf32, #tpu.memory_space<hbm>>) dst(%dma_wait3A_67 : memref<125x128xf32, #tpu.memory_space<vmem>>)
      %add3A_74 = arith.constant 2 : i32
      %add3A_75 = arith.addi %mul3A_50, %add3A_74 : i32
      %lt3A = arith.constant 40 : i32
      %lt3A_76 = arith.cmpi slt, %add3A_75, %lt3A : i32
      %convert_element_type3A = arith.extui %lt3A_76 : i1 to i32
      %cond3A = arith.constant 0 : i32
      %cond3A_77 = arith.cmpi ne, %convert_element_type3A, %cond3A : i32
      scf.if %cond3A_77 {
        %add3A_89 = arith.constant 2 : i32
        %add3A_90 = arith.addi %mul3A_50, %add3A_89 : i32
        %dma_start3A_91 = arith.constant 0 : i32
        %dma_start3A_92 = arith.constant 0 : i32
        %dma_start3A_93 = arith.constant 0 : i32
        %dma_start3A_94 = tpu.memref_slice %arg10[%dma_start3A_91, %dma_start3A_92, %dma_start3A_93] : memref<2x125x128xf32, #tpu.memory_space<vmem>> -> memref<1x125x128xf32, #tpu.memory_space<vmem>>
        %dma_start3A_95 = tpu.memref_squeeze %dma_start3A_94 : memref<1x125x128xf32, #tpu.memory_space<vmem>> -> memref<125x128xf32, #tpu.memory_space<vmem>>
        %dma_start3A_96 = arith.constant 0 : i32
        %dma_start3A_97 = tpu.memref_slice %arg8[%add3A_90, %dma_start3A_96] : memref<40x125xi32, #tpu.memory_space<vmem>> -> memref<1x125xi32, #tpu.memory_space<vmem>>
        %dma_start3A_98 = tpu.memref_squeeze %dma_start3A_97 : memref<1x125xi32, #tpu.memory_space<vmem>> -> memref<125xi32, #tpu.memory_space<vmem>>
        %dma_start3A_99 = arith.constant 0 : i32
        %dma_start3A_100 = arith.constant 0 : i32
        %dma_start3A_101 = tpu.memref_slice %arg2[%dma_start3A_99, %dma_start3A_100] : memref<10000x128xf32, #tpu.memory_space<hbm>> -> memref<10000x128xf32, #tpu.memory_space<hbm>>
        tpu.enqueue_indirect_dma source(%dma_start3A_101 : memref<10000x128xf32, #tpu.memory_space<hbm>>) target(%dma_start3A_95 : memref<125x128xf32, #tpu.memory_space<vmem>>) offsets(%dma_start3A_98 : memref<125xi32, #tpu.memory_space<vmem>>) semaphore(%arg11 : memref<!tpu.dma_semaphore, #tpu.memory_space<semaphore_mem>>)
      } else {
      }
      %dma_wait3A_78 = arith.constant 1 : i32
      %dma_wait3A_79 = arith.constant 0 : i32
      %dma_wait3A_80 = arith.constant 0 : i32
      %dma_wait3A_81 = tpu.memref_slice %arg10[%dma_wait3A_78, %dma_wait3A_79, %dma_wait3A_80] : memref<2x125x128xf32, #tpu.memory_space<vmem>> -> memref<1x125x128xf32, #tpu.memory_space<vmem>>
      %dma_wait3A_82 = tpu.memref_squeeze %dma_wait3A_81 : memref<1x125x128xf32, #tpu.memory_space<vmem>> -> memref<125x128xf32, #tpu.memory_space<vmem>>
      %dma_wait3A_83 = arith.constant 0 : i32
      %dma_wait3A_84 = tpu.memref_slice %arg8[%add3A_52, %dma_wait3A_83] : memref<40x125xi32, #tpu.memory_space<vmem>> -> memref<1x125xi32, #tpu.memory_space<vmem>>
      %dma_wait3A_85 = tpu.memref_squeeze %dma_wait3A_84 : memref<1x125xi32, #tpu.memory_space<vmem>> -> memref<125xi32, #tpu.memory_space<vmem>>
      %dma_wait3A_86 = arith.constant 0 : i32
      %dma_wait3A_87 = arith.constant 0 : i32
      %dma_wait3A_88 = tpu.memref_slice %arg2[%dma_wait3A_86, %dma_wait3A_87] : memref<10000x128xf32, #tpu.memory_space<hbm>> -> memref<10000x128xf32, #tpu.memory_space<hbm>>
      tpu.wait_indirect_dma semaphore(%arg12 : memref<!tpu.dma_semaphore, #tpu.memory_space<semaphore_mem>>) src(%dma_wait3A_88 : memref<10000x128xf32, #tpu.memory_space<hbm>>) dst(%dma_wait3A_82 : memref<125x128xf32, #tpu.memory_space<vmem>>)
    }
    %scan3A_42 = arith.constant 20 : i32
    %barrier3A_43 = arith.constant 0 : index
    tpu.barrier barrier_id(%barrier3A_43)
    %mul3A_44 = arith.constant 640 : i32
    %mul3A_45 = arith.muli %arg1, %mul3A_44 : i32
    %mul3A_46 = arith.constant 640 : i32
    %mul3A_47 = arith.muli %arg1, %mul3A_46 : i32
    "tpu.region"() ({
      %run_scoped3A = tpu.sem_alloc : memref<!tpu.dma_semaphore, #tpu.memory_space<semaphore_mem>>
      %dma_start3A_48 = arith.constant 0 : i32
      %dma_start3A_49 = arith.constant 0 : i32
      %dma_start3A_50 = tpu.memref_slice %arg6[%arg0, %dma_start3A_48, %dma_start3A_49] : memref<2x10240x128xf32, #tpu.memory_space<hbm>> -> memref<1x10240x128xf32, #tpu.memory_space<hbm>>
      %dma_start3A_51 = tpu.memref_squeeze %dma_start3A_50 : memref<1x10240x128xf32, #tpu.memory_space<hbm>> -> memref<10240x128xf32, #tpu.memory_space<hbm>>
      %dma_start3A_52 = arith.constant 0 : i32
      %dma_start3A_53 = tpu.memref_slice %dma_start3A_51[%mul3A_47, %dma_start3A_52] : memref<10240x128xf32, #tpu.memory_space<hbm>> -> memref<640x128xf32, #tpu.memory_space<hbm>>
      %dma_start3A_54 = arith.constant 0 : i32
      %dma_start3A_55 = tpu.memref_slice %arg7[%mul3A_45, %dma_start3A_54] : memref<10240x128xf32, #tpu.memory_space<vmem_shared>> -> memref<640x128xf32, #tpu.memory_space<vmem_shared>>
      tpu.enqueue_dma source(%dma_start3A_55 : memref<640x128xf32, #tpu.memory_space<vmem_shared>>) target(%dma_start3A_53 : memref<640x128xf32, #tpu.memory_space<hbm>>) target_semaphore(%run_scoped3A : memref<!tpu.dma_semaphore, #tpu.memory_space<semaphore_mem>>)
      %dma_wait3A = arith.constant 0 : i32
      %dma_wait3A_56 = arith.constant 0 : i32
      %dma_wait3A_57 = tpu.memref_slice %arg6[%arg0, %dma_wait3A, %dma_wait3A_56] : memref<2x10240x128xf32, #tpu.memory_space<hbm>> -> memref<1x10240x128xf32, #tpu.memory_space<hbm>>
      %dma_wait3A_58 = tpu.memref_squeeze %dma_wait3A_57 : memref<1x10240x128xf32, #tpu.memory_space<hbm>> -> memref<10240x128xf32, #tpu.memory_space<hbm>>
      %dma_wait3A_59 = arith.constant 0 : i32
      %dma_wait3A_60 = tpu.memref_slice %dma_wait3A_58[%mul3A_47, %dma_wait3A_59] : memref<10240x128xf32, #tpu.memory_space<hbm>> -> memref<640x128xf32, #tpu.memory_space<hbm>>
      %dma_wait3A_61 = arith.constant 0 : i32
      %dma_wait3A_62 = tpu.memref_slice %arg7[%mul3A_45, %dma_wait3A_61] : memref<10240x128xf32, #tpu.memory_space<vmem_shared>> -> memref<640x128xf32, #tpu.memory_space<vmem_shared>>
      tpu.wait_dma2 semaphore(%run_scoped3A : memref<!tpu.dma_semaphore, #tpu.memory_space<semaphore_mem>>) src(%dma_wait3A_62 : memref<640x128xf32, #tpu.memory_space<vmem_shared>>) dst(%dma_wait3A_60 : memref<640x128xf32, #tpu.memory_space<hbm>>)
      tpu.yield
    }) : () -> ()
    return
  }
}

module attributes {stable_mosaic.version = 14 : i64} {
  func.func @_norm_body(%arg0: memref<32x10000xf32, #tpu.memory_space<vmem>>, %arg1: memref<10000x128xf32, #tpu.memory_space<vmem>>, %arg2: memref<10000x128xf32, #tpu.memory_space<vmem>>, %arg3: memref<10000x1xf32, #tpu.memory_space<vmem>>) attributes {dimension_semantics = [], scalar_prefetch = 0 : i64, scratch_operands = 0 : i64, tpu.core_type = #tpu.core_type<tc>} {
    %get3A = arith.constant 0 : index
    %get3A_0 = arith.constant 0 : index
    %get3A_1 = vector.load %arg0[%get3A, %get3A_0] : memref<32x10000xf32, #tpu.memory_space<vmem>>, vector<32x10000xf32>
    %reduce_sum3A = arith.constant dense<0.000000e+00> : vector<10000xf32>
    %reduce_sum3A_2 = vector.multi_reduction <add>, %get3A_1, %reduce_sum3A [0] : vector<32x10000xf32> to vector<10000xf32>
    %gt3A = arith.constant 0.000000e+00 : f32
    %gt3A_3 = vector.broadcast %gt3A : f32 to vector<10000xf32>
    %gt3A_4 = arith.cmpf ogt, %reduce_sum3A_2, %gt3A_3 : vector<10000xf32>
    %rsqrt3A = math.rsqrt %reduce_sum3A_2 : vector<10000xf32>
    %jit3A = arith.constant 0.000000e+00 : f32
    %broadcast_in_dim3A = vector.broadcast %jit3A : f32 to vector<10000xf32>
    %select_n3A = arith.select %gt3A_4, %rsqrt3A, %broadcast_in_dim3A : vector<10000xi1>, vector<10000xf32>
    %broadcast_in_dim3A_5 = vector.shape_cast %select_n3A : vector<10000xf32> to vector<10000x1xf32>
    %get3A_6 = arith.constant 0 : index
    %get3A_7 = arith.constant 0 : index
    %get3A_8 = vector.load %arg1[%get3A_6, %get3A_7] : memref<10000x128xf32, #tpu.memory_space<vmem>>, vector<10000x128xf32>
    %mul3A = vector.broadcast %broadcast_in_dim3A_5 : vector<10000x1xf32> to vector<10000x128xf32>
    %mul3A_9 = arith.mulf %get3A_8, %mul3A : vector<10000x128xf32>
    %swap3A = arith.constant 0 : index
    %swap3A_10 = arith.constant 0 : index
    %swap3A_11 = vector.load %arg2[%swap3A, %swap3A_10] : memref<10000x128xf32, #tpu.memory_space<vmem>>, vector<10000x128xf32>
    tpu.vector_store %arg2[%swap3A, %swap3A_10], %mul3A_9 {strides = array<i32>} : memref<10000x128xf32, #tpu.memory_space<vmem>>, vector<10000x128xf32>,
    %swap3A_12 = arith.constant 0 : index
    %swap3A_13 = arith.constant 0 : index
    %swap3A_14 = vector.load %arg3[%swap3A_12, %swap3A_13] : memref<10000x1xf32, #tpu.memory_space<vmem>>, vector<10000x1xf32>
    tpu.vector_store %arg3[%swap3A_12, %swap3A_13], %broadcast_in_dim3A_5 {strides = array<i32>} : memref<10000x1xf32, #tpu.memory_space<vmem>>, vector<10000x1xf32>,
    return
  }
}

module attributes {stable_mosaic.version = 14 : i64} {
  func.func @_linear_body(%arg0: memref<2x10240x128xf32, #tpu.memory_space<vmem>>, %arg1: memref<10000x1xf32, #tpu.memory_space<vmem>>, %arg2: memref<128x128xf32, #tpu.memory_space<vmem>>, %arg3: memref<1x128xf32, #tpu.memory_space<vmem>>, %arg4: memref<10000x128xf32, #tpu.memory_space<vmem>>) attributes {dimension_semantics = [], scalar_prefetch = 0 : i64, scratch_operands = 0 : i64, tpu.core_type = #tpu.core_type<tc>} {
    %get3A = arith.constant 0 : index
    %get3A_0 = arith.constant 0 : index
    %get3A_1 = arith.constant 0 : index
    %get3A_2 = vector.load %arg0[%get3A, %get3A_0, %get3A_1] : memref<2x10240x128xf32, #tpu.memory_space<vmem>>, vector<1x10240x128xf32>
    %get3A_3 = vector.shape_cast %get3A_2 : vector<1x10240x128xf32> to vector<10240x128xf32>
    %slice3A = vector.extract_strided_slice %get3A_3 {offsets = [0, 0], sizes = [10000, 128], strides = [1, 1]} : vector<10240x128xf32> to vector<10000x128xf32>
    %get3A_4 = arith.constant 1 : index
    %get3A_5 = arith.constant 0 : index
    %get3A_6 = arith.constant 0 : index
    %get3A_7 = vector.load %arg0[%get3A_4, %get3A_5, %get3A_6] : memref<2x10240x128xf32, #tpu.memory_space<vmem>>, vector<1x10240x128xf32>
    %get3A_8 = vector.shape_cast %get3A_7 : vector<1x10240x128xf32> to vector<10240x128xf32>
    %slice3A_9 = vector.extract_strided_slice %get3A_8 {offsets = [0, 0], sizes = [10000, 128], strides = [1, 1]} : vector<10240x128xf32> to vector<10000x128xf32>
    %add3A = arith.addf %slice3A, %slice3A_9 : vector<10000x128xf32>
    %get3A_10 = arith.constant 0 : index
    %get3A_11 = arith.constant 0 : index
    %get3A_12 = vector.load %arg1[%get3A_10, %get3A_11] : memref<10000x1xf32, #tpu.memory_space<vmem>>, vector<10000x1xf32>
    %mul3A = vector.broadcast %get3A_12 : vector<10000x1xf32> to vector<10000x128xf32>
    %mul3A_13 = arith.mulf %add3A, %mul3A : vector<10000x128xf32>
    %get3A_14 = arith.constant 0 : index
    %get3A_15 = arith.constant 0 : index
    %get3A_16 = vector.load %arg2[%get3A_14, %get3A_15] : memref<128x128xf32, #tpu.memory_space<vmem>>, vector<128x128xf32>
    %dot_general3A = arith.constant dense<0.000000e+00> : vector<10000x128xf32>
    %dot_general3A_17 = tpu.matmul %mul3A_13, %get3A_16, %dot_general3A {dimension_numbers = #tpu.dot_dimension_numbers<[1], [0], [0], [1], [0, 0, 1, 1], [], []>, precision = #tpu.contract_precision<fp32>, transpose_lhs_hint = false} : vector<10000x128xf32>, vector<128x128xf32>, vector<10000x128xf32> -> vector<10000x128xf32>
    %get3A_18 = arith.constant 0 : index
    %get3A_19 = arith.constant 0 : index
    %get3A_20 = vector.load %arg3[%get3A_18, %get3A_19] : memref<1x128xf32, #tpu.memory_space<vmem>>, vector<1x128xf32>
    %add3A_21 = vector.broadcast %get3A_20 : vector<1x128xf32> to vector<10000x128xf32>
    %add3A_22 = arith.addf %dot_general3A_17, %add3A_21 : vector<10000x128xf32>
    %swap3A = arith.constant 0 : index
    %swap3A_23 = arith.constant 0 : index
    %swap3A_24 = vector.load %arg4[%swap3A, %swap3A_23] : memref<10000x128xf32, #tpu.memory_space<vmem>>, vector<10000x128xf32>
    tpu.vector_store %arg4[%swap3A, %swap3A_23], %add3A_22 {strides = array<i32>} : memref<10000x128xf32, #tpu.memory_space<vmem>>, vector<10000x128xf32>,
    return
  }
}

</mosaic_0001>

<sc_bundles>
// kernel: kernel.6.cloned.1.call-start
scs
__scs_entry_jumppad:
0x0: {  	(pc) =	sbr.rel $0x88, $3  }
0x1: {  	(tag) =	ssettag $0x0;
	lr =	simm.s32 $0x1  }
0x2: {  	[smem:$0x3F9D] =	sst lr;
	_ =	strace $0xD0000000  }
0x3: {  	_ = 	snop  }
0x4: {  	_ = 	snop  }
0x5: {  	_ = 	snop  }
0x6: {  	_ = 	snop  }
0x7: {  	_ = 	snop  }
__scs_overlays_trampoline_lowered:
0x8: {  	[smem:$0x3FAC] =	sst s0  }
0x9: {  	[smem:$0x3FAD] =	sst s1  }
0xa: {  	[smem:$0x3FAE] =	sst s2  }
0xb: {  	[smem:$0x3FAF] =	sst s3  }
0xc: {  	[smem:$0x3FB0] =	sst s4  }
0xd: {  	[smem:$0x3FB1] =	sst s5  }
0xe: {  	[smem:$0x3FB2] =	sst s6  }
0xf: {  	[smem:$0x3FB3] =	sst s7  }
0x10: {  	[smem:$0x3FB4] =	sst s8  }
0x11: {  	[smem:$0x3FB5] =	sst s9;
	s0 =	simm.s32 @!p0 $0x0  }
0x12: {  	s1 =	sld [smem:$0x3F9B];
	s0 =	simm.s32 @p0 $0x1  }
0x13: {  	[smem:$0x3FB6] =	sst s0;
	s0 =	simm.s32 @!p1 $0x0  }
0x14: {  	s2 =	sld [smem:$0x3F9A];
	s0 =	simm.s32 @p1 $0x1  }
0x15: {  	[smem:$0x3FB7] =	sst s0;
	s0 =	simm.s32 @!p2 $0x0  }
0x16: {  	s3 =	sld [smem:$0x3FDB];
	s0 =	simm.s32 @p2 $0x1  }
0x17: {  	s4 =	simm.s32 $0x1BF5;
	[smem:$0x3FB9] =	sst s0  }
0x18: {  	s0 =	sld [smem:$0x3F9C];
	_ =	swait.ge [sflag:s4], $0x0  }
0x19: {  	s7 =	sld [smem:$0x3F9D]  }
0x1a: {  	s8 =	sadd.s32 $0xFFFFE003, lr  }
0x1b: {  	s9 =	sadd.s32 $0xFFFFFEF7, lr;
	s5 =	simm.s32 $0xFFFFFFFF;
	p2 =	slt.u32 s8, $0xFFFFF086  }
0x1c: {  	p1 =	slt.u32 s9, $0xF7A;
	s5 =	simm.s32 @!p2 $0x0  }
0x1d: {  	s5 =	simm.s32 @p1 $0x1;
	p0 =	seq.s32 s7, s2  }
0x1e: {  	s7 =	smul.u32 @!p0 $0xF7A, s2;
	p2 =	seq.s32 @!p0 s5, $0x0  }
0x1f: {  	s9 =	smul.u32 $0xF7A, s1;
	s8 =	simm.s32 @!p0 $0x1BF5;
	p2 =	por !p2, p0  }
0x20: {  	[sflag:s8] =	ssyncset.s32 @!p0 $0xFFFFF086;
	s6 =	sadd.s32 @!p0 s3, s7;
	s7 =	simm.s32 @!p0 $0x108  }
0x21: {  	s3 =	sadd.s32 s3, s9;
	s6 =	sadd.s32 @!p0 $0x88, s6;
	s7 =	simm.s32 @p2 $0x1082  }
0x22: {  	[simem:s7], [sflag:s8] =	dma.local @!p0 [hbm:s6], $0xF7A  }
0x23: {  	s9 =	sor.u32 $0xD0000000, s2;
	s6 =	simm.s32 $0x108;
	_ =	swait.ge @!p0 [sflag:s8], $0x0  }
0x24: {  	s3 =	sadd.s32 $0x88, s3;
	s6 =	simm.s32 @!p1 $0x1082;
	[sflag:s4] =	ssyncset.s32 $0xFFFFF086  }
0x25: {  	[simem:s6], [sflag:s4] =	dma.local [hbm:s3], $0xF7A  }
0x26: {  	[smem:$0x3F9D] =	sst s1;
	(tag) =	ssettag s2;
	_ =	strace s9  }
0x27: {  	s1 =	sld [smem:$0x3FAD]  }
0x28: {  	s2 =	sld [smem:$0x3FAE]  }
0x29: {  	s4 =	sld [smem:$0x3FB0]  }
0x2a: {  	p0 =	seq.s32 s5, $0x0;
	s5 =	sld [smem:$0x3FB1]  }
0x2b: {  	s6 =	sld [smem:$0x3FB2]  }
0x2c: {  	s7 =	sld [smem:$0x3FB3]  }
0x2d: {  	s3 =	simm.s32 $0x108;
	s8 =	sld [smem:$0x3FB4]  }
0x2e: {  	s3 =	simm.s32 @!p0 $0x1082;
	s9 =	sld [smem:$0x3FB5]  }
0x2f: {  	lr =	sadd.s32 s0, s3;
	s0 =	sld [smem:$0x3FAC]  }
0x30: {  	s3 =	sld [smem:$0x3FAF]  }
0x31: {  	[smem:$0x3FB8] =	sst s10  }
0x32: {  	s10 =	sld [smem:$0x3FB6];
	_ =	sdelay $0x3  }
0x33: {  	p0 =	seq.s32 s10, $0x1;
	s10 =	sld [smem:$0x3FB8];
	_ =	sdelay $0x3  }
0x34: {  	[smem:$0x3FB8] =	sst s10  }
0x35: {  	s10 =	sld [smem:$0x3FB7];
	_ =	sdelay $0x3  }
0x36: {  	p1 =	seq.s32 s10, $0x1;
	s10 =	sld [smem:$0x3FB8];
	_ =	sdelay $0x3  }
0x37: {  	[smem:$0x3FB8] =	sst s10  }
0x38: {  	s10 =	sld [smem:$0x3FB9]  }
0x39: {  	_ = 	snop;
	(pc) =	sbr.ind lr, $3  }
0x3a: {  	_ = 	snop  }
0x3b: {  	_ = 	snop  }
0x3c: {  	p2 =	seq.s32 s10, $0x1;
	s10 =	sld [smem:$0x3FB8]  }
0x3d: {  	_ =	shalt  }
0x3e: {  	_ =	shalt  }
0x3f: {  	_ =	shalt  }
0x40: {  	_ =	shalt  }
0x41: {  	_ =	shalt  }
0x42: {  	_ =	shalt  }
0x43: {  	_ =	shalt  }
0x44: {  	_ =	shalt  }
0x45: {  	_ =	shalt  }
0x46: {  	_ =	shalt  }
0x47: {  	_ =	shalt  }
0x48: {  	_ =	shalt  }
0x49: {  	_ =	shalt  }
0x4a: {  	_ =	shalt  }
0x4b: {  	_ =	shalt  }
0x4c: {  	_ =	shalt  }
0x4d: {  	_ =	shalt  }
0x4e: {  	_ =	shalt  }
0x4f: {  	_ =	shalt  }
0x50: {  	_ =	shalt  }
0x51: {  	_ =	shalt  }
0x52: {  	_ =	shalt  }
0x53: {  	_ =	shalt  }
0x54: {  	_ =	shalt  }
0x55: {  	_ =	shalt  }
0x56: {  	_ =	shalt  }
0x57: {  	_ =	shalt  }
0x58: {  	_ =	shalt  }
0x59: {  	_ =	shalt  }
0x5a: {  	_ =	shalt  }
0x5b: {  	_ =	shalt  }
0x5c: {  	_ =	shalt  }
0x5d: {  	_ =	shalt  }
0x5e: {  	_ =	shalt  }
0x5f: {  	_ =	shalt  }
0x60: {  	_ =	shalt  }
0x61: {  	_ =	shalt  }
0x62: {  	_ =	shalt  }
0x63: {  	_ =	shalt  }
0x64: {  	_ =	shalt  }
0x65: {  	_ =	shalt  }
0x66: {  	_ =	shalt  }
0x67: {  	_ =	shalt  }
0x68: {  	_ =	shalt  }
0x69: {  	_ =	shalt  }
0x6a: {  	_ =	shalt  }
0x6b: {  	_ =	shalt  }
0x6c: {  	_ =	shalt  }
0x6d: {  	_ =	shalt  }
0x6e: {  	_ =	shalt  }
0x6f: {  	_ =	shalt  }
0x70: {  	_ =	shalt  }
0x71: {  	_ =	shalt  }
0x72: {  	_ =	shalt  }
0x73: {  	_ =	shalt  }
0x74: {  	_ =	shalt  }
0x75: {  	_ =	shalt  }
0x76: {  	_ =	shalt  }
0x77: {  	_ =	shalt  }
0x78: {  	_ =	shalt  }
0x79: {  	_ =	shalt  }
0x7a: {  	_ =	shalt  }
0x7b: {  	_ =	shalt  }
0x7c: {  	_ =	shalt  }
0x7d: {  	_ =	shalt  }
0x7e: {  	_ =	shalt  }
0x7f: {  	_ =	shalt  }
0x80: {  	_ =	shalt  }
0x81: {  	_ =	shalt  }
0x82: {  	_ =	shalt  }
0x83: {  	_ =	shalt  }
0x84: {  	_ =	shalt  }
0x85: {  	_ =	shalt  }
0x86: {  	_ =	shalt  }
0x87: {  	_ =	shalt  }
.Lfunc_end0:
.L_simem_size_0:
called_computation_lowered:
.L_overlay_start_0:
0x88: {  	s2 =	sld [smem:$0x3FD9]  }
0x89: {  	s3 =	sld [smem:$0x3FFE];
	_ =	sdelay $0x1  }
0x8a: {  	s1 =	srdreg.scid  }
0x8b: {  	s0 =	sand.u32 $0x1, s1  }
0x8c: {  	s17 =	sshll.u32 s0, $0xA;
	s2 =	sadd.s32 s3, s2  }
0x8d: {  	s2 =	sadd.s32 s2, s17  }
0x8e: {  	[smem:$0x3FC4] =	sst s2  }
0x8f: {  	_ = 	snop  }
0x90: {  	s2 =	sld [smem:$0x3FD0];
	(tm) =	ssettm $0x1  }
0x91: {  	s18 =	sld [smem:$0x3FFB];
	_ =	sdelay $0x3  }
0x92: {  	_ =	strace s18  }
0x93: {  	s3 =	sld [smem:$0x3FFC];
	_ =	sdelay $0x3  }
0x94: {  	_ =	strace s3  }
0x95: {  	s3 =	sld [smem:$0x3FFD];
	_ =	sdelay $0x3  }
0x96: {  	_ =	strace s3  }
0x97: {  	_ =	strace $0x8FFFFFFF  }
0x98: {  	s19 =	sld [smem:$0x3FDB];
	_ =	sdelay $0x1  }
0x99: {  	s4 =	simm.s32 $_scs_section_size  }
0x9a: {  	s5 =	simm.s32 $_size__tile_overlayer_lowered;
	s6 =	simm.s32 $_tile_overlayer_lowered  }
0x9b: {  	s22 =	simm.s32 $0x1BFF;
	s21 =	sshll.u32 s6, $0x1;
	s3 =	sadd.s32 s4, s19  }
0x9c: {  	s7 =	simm.s32 $0x0;
	s20 =	sshll.u32 s5, $0x1;
	s5 =	sadd.s32 s21, s3  }
0x9d: {  	[timem:s7], [sflag:s22] =	dma.local [hbm:s5], s20  }
0x9e: {  	_ =	swait.ge [sflag:s22], s20  }
0x9f: {  	s4 =	ssub.s32 $0x0, s20;
	[sflag:s22] =	ssyncset.done $0x0  }
0xa0: {  	[sflag:s22] =	ssyncadd.s32 s4;
	_ =	sdelay $0x1  }
0xa1: {  	s23 =	simm.s32 $0x1B8B  }
0xa2: {  	_ =	swait.ge [sflag:s23], $0x1  }
0xa3: {  	[sflag:s23] =	ssyncset.done $0x0  }
0xa4: {  	s25 =	simm.s32 $0x1B8E;
	s24 =	sld [smem:$0x3FFE];
	[sflag:s23] =	ssyncadd.s32 $0xFFFFFFFF  }
0xa5: {  	s26 =	simm.s32 $execute0_lowered;
	[smem:$0x3FD2] =	sst s25  }
0xa6: {  	s5 =	sshll.u32 s26, $0x1;
	_ =	strace $0x80000046;
	[dreg:$0x1] =	wrdreg $0xFFFFFFFF  }
0xa7: {  	s28 =	simm.s32 $_size_execute0_lowered;
	s3 =	sadd.s32 s3, s5;
	[dreg:$0x0] =	wrdreg $0x0  }
0xa8: {  	s5 =	sshll.u32 s28, $0x1;
	[dreg:$0x2] =	wrdreg s3  }
0xa9: {  	[dreg:$0x3] =	wrdreg s5  }
0xaa: {  	[dreg:$0x4] =	wrdreg $0xC0  }
0xab: {  	_ =	task [dreg:s7], $0x5FFFF  }
0xac: {  	[dreg:$0x1] =	wrdreg $0xFFFFFFFF  }
0xad: {  	[dreg:$0x0] =	wrdreg $0x60  }
0xae: {  	[dreg:$0x2] =	wrdreg s2  }
0xaf: {  	[dreg:$0x3] =	wrdreg s24  }
0xb0: {  	[dreg:$0x4] =	wrdreg $0x9  }
0xb1: {  	_ =	task.clear_ibuf [dreg:s7], $0x5FFFF;
	_ =	strace $0x90000046  }
0xb2: {  	s29 =	simm.s32 $0x9;
	_ =	strace $0x80000048  }
0xb3: {  	_ =	swait.ge [sflag:s29], $0x1  }
0xb4: {  	[sflag:s29] =	ssyncadd.s32 $0xFFFFFFFF  }
0xb5: {  	_ =	strace $0x90000048  }
0xb6: {  	_ =	sfence  }
0xb7: {  	s30 =	sld [smem:$0x0];
	_ =	sdelay $0x2  }
0xb8: {  	s31 =	sshll.u32 s1, $0xD;
	s1 =	sshrl.u32 s1, $0x2  }
0xb9: {  	s3 =	sand.u32 $0x4000, s31;
	s1 =	sadd.s32 s1, s30  }
0xba: {  	s0 =	sor.u32 s3, s0;
	s1 =	sshll.u32 s1, $0x11  }
0xbb: {  	s0 =	sor.u32 s1, s0  }
0xbc: {  	s0 =	sadd.s32 $0x8F2B, s0  }
0xbd: {  	[sflag:s0] =	ssyncadd.remote.s32 $0x1  }
0xbe: {  	_ =	sfence.sel $0xFFFF  }
0xbf: {  	[dreg:$0x0] =	wrdreg $0xFFFFFFFF;
	(pc) =	sbr.abs _section_cstart, $3  }
0xc0: {  	[dreg:$0x1] =	wrdreg $0xFFFFFFFF  }
0xc1: {  	_ =	task.clear_ibuf [dreg:s7], $0x2FFFF;
	_ =	strace $0x9FFFFFFF  }
0xc2: {  	(tm) =	ssettm $0x7FFFFFFF  }
0xc3: {  	_ =	shalt  }
tec
execute0_lowered:
.L_overlay_start_1:
0x0: {  	(tag) =	ssettag $0x1  }
0x1: {  	s3 =	rddreg [dreg:$0x0];
	s1 =	srdreg.scid  }
0x2: {  	s0 =	stileid.u32;
	s4 =	rddreg [dreg:$0x1]  }
0x3: {  	s8 =	simm.s32 $0x0;
	s5 =	sand.u32 $0x1, s1;
	s2 =	sshll.u32 s0, $0x1  }
0x4: {  	s6 =	sor.u32 s5, s2;
	s2 =	simm.s32 $0x0;
	s5 =	ssub.s32 $0x2, s5  }
0x5: {  	s6 =	smul.u32 $0x4E2, s6;
	[smem:$0x7FF] =	sst s2;
	s7 =	sshrl.u32 s5, $0x1  }
0x6: {  	s1 =	rddreg [dreg:$0x2];
	_ =	strace $0x80000047;
	s5 =	ssub.s32 s5, s7  }
0x7: {  	s7 =	simm.s32 $0x2780;
	s4 =	sadd.s32 s6, s4;
	s3 =	sadd.s32 s3, s6  }
0x8: {  	v0 =	vimm.f32 $0.0e+00;
	v1 =	vimm.f32 $1.000000000e+00;
	s5 =	smax.u32 s5, $0x1;
	s6 =	simm.s32 $0x1;
	s4 =	sadd.s32 $0x1400, s4  }
.LBB2_1:
0x9: {  	[tilespmem:s2], [sflag:$0x1] =	stream.linear.gather [hbm4b:s3+s2], $0x2710, $0x38;
	[tilespmem:$0x4F00] =	vst v63  }
0xa: {  	_ =	swait.ge [sflag:s6], $0x2710  }
0xb: {  	[sflag:s6] =	ssyncset.done $0x0  }
0xc: {  	s9 =	simm.s32 $0x0;
	[sflag:s6] =	ssyncadd.s32 $0xFFFFD8F0  }
.LBB2_2:
0xd: {  	p0 =	sne.s32 s9, $0x9C00  }
.Ltmp0:
0xe: {  	_ = 	snop;
	(pc) =	sbr.rel @p0 .LBB2_2-.Ltmp0, $3  }
0xf: {  	_ =	sdelay $0x1  }
0x10: {  	s10 =	sshra.s32 s9, $0x2  }
0x11: {  	s9 =	sadd.s32 $0x40, s9;
	[tilespmem:s10+$0x2780] =	vst v0  }
0x12: {  	s10 =	simm.s32 $0x0;
	s9 =	simm.s32 $0x40  }
.LBB2_4:
0x13: {  	p0 =	sne.s32 s9, $0x9C00;
	v2 =	vld [tilespmem:s10+$0x0];
	_ =	sdelay $0x3  }
.Ltmp1:
0x14: {  	(pc) =	sbr.rel @p0 .LBB2_4-.Ltmp1, $2  }
0x15: {  	_ =	sdelay $0x2  }
0x16: {  	s10 =	sshra.s32 s9, $0x2;
	s9 =	sadd.s32 $0x40, s9;
	[tilespmem:v2+s7+$0x0] =	vst.idx.add.f32.msk $0xffff, v1  }
0x17: {  	v2 =	vld [tilespmem:s10+$0x0];
	_ =	sdelay $0x5  }
0x18: {  	s8 =	sadd.s32 $0x1, s8  }
0x19: {  	p0 =	sne.s32 s8, s5  }
.Ltmp2:
0x1a: {  	[tilespmem:v2+s7+$0x0] =	vst.idx.add.f32.msk $0xffff, v1;
	(pc) =	sbr.rel @p0 .LBB2_1-.Ltmp2, $4  }
0x1b: {  	[hbm4b:s4+s2] =	stream.linear.scatter [tilespmem:s7], [sflag:$0x1], $0x2710, $0x38;
	[tilespmem:$0x4F00] =	vst v63  }
0x1c: {  	_ =	swait.ge [sflag:s6], $0x2710  }
0x1d: {  	[sflag:s6] =	ssyncset.done $0x0  }
0x1e: {  	[sflag:s6] =	ssyncadd.s32 $0xFFFFD8F0  }
0x1f: {  	_ =	sfence.sel $0x180000  }
0x20: {  	[bflag:$0x0] =	sbarrier.arrive $0xFFFF  }
0x21: {  	p0 =	sne.s32 s0, $0x0;
	_ =	strace $0x90000047  }
0x22: {  	s0 =	sadd.s32 @!p0 $0x100000, s1;
	[bflag:$0x2] =	sbarrier.arrive $0xFFFF  }
0x23: {  	[sflag:s0] =	ssyncadd.tile.s32 @!p0 $0x1;
	_ =	shalt  }
.Lfunc_end2:
_tile_overlayer_lowered:
.L_overlay_start_2:
0x24: {  	(tag) =	ssettag $0x2  }
0x25: {  	s0 =	rddreg [dreg:$0x0];
	s2 =	stileid.u32  }
0x26: {  	s1 =	rddreg [dreg:$0x1];
	p0 =	sne.s32 s2, $0x0  }
0x27: {  	s3 =	rddreg [dreg:$0x2];
	[bflag:$0x3] =	sbarrier.arrive $0xFFFF;
	s2 =	simm.s32 @!p0 $0x1C01  }
0x28: {  	[timem:s3], [sflag:s2] =	dma.local @!p0 [hbm:s0], s1  }
0x29: {  	s0 =	simm.s32 @!p0 $0x1  }
0x2a: {  	_ =	swait.ge @!p0 [sflag:s0], s1  }
0x2b: {  	s1 =	ssub.s32 @!p0 $0x0, s1;
	[sflag:s0] =	ssyncset.done @!p0 $0x0  }
0x2c: {  	[sflag:s0] =	ssyncadd.s32 @!p0 s1  }
0x2d: {  	[bflag:$0x3] =	sbarrier.arrive $0xFFFF  }
0x2e: {  	_ =	shalt  }

// kernel: kernel.9.cloned.1.call-start
scs
__scs_entry_jumppad:
0x0: {  	(pc) =	sbr.rel $0x88, $3  }
0x1: {  	(tag) =	ssettag $0x0;
	lr =	simm.s32 $0x1  }
0x2: {  	[smem:$0x3F9D] =	sst lr;
	_ =	strace $0xD0000000  }
0x3: {  	_ = 	snop  }
0x4: {  	_ = 	snop  }
0x5: {  	_ = 	snop  }
0x6: {  	_ = 	snop  }
0x7: {  	_ = 	snop  }
__scs_overlays_trampoline_lowered:
0x8: {  	[smem:$0x3FAC] =	sst s0  }
0x9: {  	[smem:$0x3FAD] =	sst s1  }
0xa: {  	[smem:$0x3FAE] =	sst s2  }
0xb: {  	[smem:$0x3FAF] =	sst s3  }
0xc: {  	[smem:$0x3FB0] =	sst s4  }
0xd: {  	[smem:$0x3FB1] =	sst s5  }
0xe: {  	[smem:$0x3FB2] =	sst s6  }
0xf: {  	[smem:$0x3FB3] =	sst s7  }
0x10: {  	[smem:$0x3FB4] =	sst s8  }
0x11: {  	[smem:$0x3FB5] =	sst s9;
	s0 =	simm.s32 @!p0 $0x0  }
0x12: {  	s1 =	sld [smem:$0x3F9B];
	s0 =	simm.s32 @p0 $0x1  }
0x13: {  	[smem:$0x3FB6] =	sst s0;
	s0 =	simm.s32 @!p1 $0x0  }
0x14: {  	s2 =	sld [smem:$0x3F9A];
	s0 =	simm.s32 @p1 $0x1  }
0x15: {  	[smem:$0x3FB7] =	sst s0;
	s0 =	simm.s32 @!p2 $0x0  }
0x16: {  	s3 =	sld [smem:$0x3FDB];
	s0 =	simm.s32 @p2 $0x1  }
0x17: {  	s4 =	simm.s32 $0x1BF5;
	[smem:$0x3FB9] =	sst s0  }
0x18: {  	s0 =	sld [smem:$0x3F9C];
	_ =	swait.ge [sflag:s4], $0x0  }
0x19: {  	s7 =	sld [smem:$0x3F9D]  }
0x1a: {  	s8 =	sadd.s32 $0xFFFFE003, lr  }
0x1b: {  	s9 =	sadd.s32 $0xFFFFFEF7, lr;
	s5 =	simm.s32 $0xFFFFFFFF;
	p2 =	slt.u32 s8, $0xFFFFF086  }
0x1c: {  	p1 =	slt.u32 s9, $0xF7A;
	s5 =	simm.s32 @!p2 $0x0  }
0x1d: {  	s5 =	simm.s32 @p1 $0x1;
	p0 =	seq.s32 s7, s2  }
0x1e: {  	s7 =	smul.u32 @!p0 $0xF7A, s2;
	p2 =	seq.s32 @!p0 s5, $0x0  }
0x1f: {  	s9 =	smul.u32 $0xF7A, s1;
	s8 =	simm.s32 @!p0 $0x1BF5;
	p2 =	por !p2, p0  }
0x20: {  	[sflag:s8] =	ssyncset.s32 @!p0 $0xFFFFF086;
	s6 =	sadd.s32 @!p0 s3, s7;
	s7 =	simm.s32 @!p0 $0x108  }
0x21: {  	s3 =	sadd.s32 s3, s9;
	s6 =	sadd.s32 @!p0 $0x88, s6;
	s7 =	simm.s32 @p2 $0x1082  }
0x22: {  	[simem:s7], [sflag:s8] =	dma.local @!p0 [hbm:s6], $0xF7A  }
0x23: {  	s9 =	sor.u32 $0xD0000000, s2;
	s6 =	simm.s32 $0x108;
	_ =	swait.ge @!p0 [sflag:s8], $0x0  }
0x24: {  	s3 =	sadd.s32 $0x88, s3;
	s6 =	simm.s32 @!p1 $0x1082;
	[sflag:s4] =	ssyncset.s32 $0xFFFFF086  }
0x25: {  	[simem:s6], [sflag:s4] =	dma.local [hbm:s3], $0xF7A  }
0x26: {  	[smem:$0x3F9D] =	sst s1;
	(tag) =	ssettag s2;
	_ =	strace s9  }
0x27: {  	s1 =	sld [smem:$0x3FAD]  }
0x28: {  	s2 =	sld [smem:$0x3FAE]  }
0x29: {  	s4 =	sld [smem:$0x3FB0]  }
0x2a: {  	p0 =	seq.s32 s5, $0x0;
	s5 =	sld [smem:$0x3FB1]  }
0x2b: {  	s6 =	sld [smem:$0x3FB2]  }
0x2c: {  	s7 =	sld [smem:$0x3FB3]  }
0x2d: {  	s3 =	simm.s32 $0x108;
	s8 =	sld [smem:$0x3FB4]  }
0x2e: {  	s3 =	simm.s32 @!p0 $0x1082;
	s9 =	sld [smem:$0x3FB5]  }
0x2f: {  	lr =	sadd.s32 s0, s3;
	s0 =	sld [smem:$0x3FAC]  }
0x30: {  	s3 =	sld [smem:$0x3FAF]  }
0x31: {  	[smem:$0x3FB8] =	sst s10  }
0x32: {  	s10 =	sld [smem:$0x3FB6];
	_ =	sdelay $0x3  }
0x33: {  	p0 =	seq.s32 s10, $0x1;
	s10 =	sld [smem:$0x3FB8];
	_ =	sdelay $0x3  }
0x34: {  	[smem:$0x3FB8] =	sst s10  }
0x35: {  	s10 =	sld [smem:$0x3FB7];
	_ =	sdelay $0x3  }
0x36: {  	p1 =	seq.s32 s10, $0x1;
	s10 =	sld [smem:$0x3FB8];
	_ =	sdelay $0x3  }
0x37: {  	[smem:$0x3FB8] =	sst s10  }
0x38: {  	s10 =	sld [smem:$0x3FB9]  }
0x39: {  	_ = 	snop;
	(pc) =	sbr.ind lr, $3  }
0x3a: {  	_ = 	snop  }
0x3b: {  	_ = 	snop  }
0x3c: {  	p2 =	seq.s32 s10, $0x1;
	s10 =	sld [smem:$0x3FB8]  }
0x3d: {  	_ =	shalt  }
0x3e: {  	_ =	shalt  }
0x3f: {  	_ =	shalt  }
0x40: {  	_ =	shalt  }
0x41: {  	_ =	shalt  }
0x42: {  	_ =	shalt  }
0x43: {  	_ =	shalt  }
0x44: {  	_ =	shalt  }
0x45: {  	_ =	shalt  }
0x46: {  	_ =	shalt  }
0x47: {  	_ =	shalt  }
0x48: {  	_ =	shalt  }
0x49: {  	_ =	shalt  }
0x4a: {  	_ =	shalt  }
0x4b: {  	_ =	shalt  }
0x4c: {  	_ =	shalt  }
0x4d: {  	_ =	shalt  }
0x4e: {  	_ =	shalt  }
0x4f: {  	_ =	shalt  }
0x50: {  	_ =	shalt  }
0x51: {  	_ =	shalt  }
0x52: {  	_ =	shalt  }
0x53: {  	_ =	shalt  }
0x54: {  	_ =	shalt  }
0x55: {  	_ =	shalt  }
0x56: {  	_ =	shalt  }
0x57: {  	_ =	shalt  }
0x58: {  	_ =	shalt  }
0x59: {  	_ =	shalt  }
0x5a: {  	_ =	shalt  }
0x5b: {  	_ =	shalt  }
0x5c: {  	_ =	shalt  }
0x5d: {  	_ =	shalt  }
0x5e: {  	_ =	shalt  }
0x5f: {  	_ =	shalt  }
0x60: {  	_ =	shalt  }
0x61: {  	_ =	shalt  }
0x62: {  	_ =	shalt  }
0x63: {  	_ =	shalt  }
0x64: {  	_ =	shalt  }
0x65: {  	_ =	shalt  }
0x66: {  	_ =	shalt  }
0x67: {  	_ =	shalt  }
0x68: {  	_ =	shalt  }
0x69: {  	_ =	shalt  }
0x6a: {  	_ =	shalt  }
0x6b: {  	_ =	shalt  }
0x6c: {  	_ =	shalt  }
0x6d: {  	_ =	shalt  }
0x6e: {  	_ =	shalt  }
0x6f: {  	_ =	shalt  }
0x70: {  	_ =	shalt  }
0x71: {  	_ =	shalt  }
0x72: {  	_ =	shalt  }
0x73: {  	_ =	shalt  }
0x74: {  	_ =	shalt  }
0x75: {  	_ =	shalt  }
0x76: {  	_ =	shalt  }
0x77: {  	_ =	shalt  }
0x78: {  	_ =	shalt  }
0x79: {  	_ =	shalt  }
0x7a: {  	_ =	shalt  }
0x7b: {  	_ =	shalt  }
0x7c: {  	_ =	shalt  }
0x7d: {  	_ =	shalt  }
0x7e: {  	_ =	shalt  }
0x7f: {  	_ =	shalt  }
0x80: {  	_ =	shalt  }
0x81: {  	_ =	shalt  }
0x82: {  	_ =	shalt  }
0x83: {  	_ =	shalt  }
0x84: {  	_ =	shalt  }
0x85: {  	_ =	shalt  }
0x86: {  	_ =	shalt  }
0x87: {  	_ =	shalt  }
.Lfunc_end0:
.L_simem_size_0:
called_computation.1_lowered:
.L_overlay_start_0:
0x88: {  	s2 =	sld [smem:$0x3FD9]  }
0x89: {  	s3 =	sld [smem:$0x3FFE];
	_ =	sdelay $0x1  }
0x8a: {  	s1 =	srdreg.scid  }
0x8b: {  	s0 =	sand.u32 $0x1, s1  }
0x8c: {  	s17 =	sshll.u32 s0, $0xA;
	s2 =	sadd.s32 s3, s2  }
0x8d: {  	s2 =	sadd.s32 s2, s17  }
0x8e: {  	[smem:$0x3FC4] =	sst s2  }
0x8f: {  	_ = 	snop  }
0x90: {  	s2 =	sld [smem:$0x3FD0];
	(tm) =	ssettm $0x1  }
0x91: {  	s18 =	sld [smem:$0x3FFB];
	_ =	sdelay $0x3  }
0x92: {  	_ =	strace s18  }
0x93: {  	s3 =	sld [smem:$0x3FFC];
	_ =	sdelay $0x3  }
0x94: {  	_ =	strace s3  }
0x95: {  	s3 =	sld [smem:$0x3FFD];
	_ =	sdelay $0x3  }
0x96: {  	_ =	strace s3  }
0x97: {  	_ =	strace $0x8FFFFFFF  }
0x98: {  	s19 =	sld [smem:$0x3FDB];
	_ =	sdelay $0x1  }
0x99: {  	s4 =	simm.s32 $_scs_section_size  }
0x9a: {  	s5 =	simm.s32 $_size__tile_overlayer_lowered;
	s6 =	simm.s32 $_tile_overlayer_lowered  }
0x9b: {  	s22 =	simm.s32 $0x1BFF;
	s21 =	sshll.u32 s6, $0x1;
	s3 =	sadd.s32 s4, s19  }
0x9c: {  	s7 =	simm.s32 $0x0;
	s20 =	sshll.u32 s5, $0x1;
	s5 =	sadd.s32 s21, s3  }
0x9d: {  	[timem:s7], [sflag:s22] =	dma.local [hbm:s5], s20  }
0x9e: {  	_ =	swait.ge [sflag:s22], s20  }
0x9f: {  	s4 =	ssub.s32 $0x0, s20;
	[sflag:s22] =	ssyncset.done $0x0  }
0xa0: {  	[sflag:s22] =	ssyncadd.s32 s4;
	_ =	sdelay $0x1  }
0xa1: {  	s23 =	simm.s32 $0x1B8B  }
0xa2: {  	_ =	swait.ge [sflag:s23], $0x1  }
0xa3: {  	[sflag:s23] =	ssyncset.done $0x0  }
0xa4: {  	s25 =	simm.s32 $0x1B8E;
	s24 =	sld [smem:$0x3FFE];
	[sflag:s23] =	ssyncadd.s32 $0xFFFFFFFF  }
0xa5: {  	s26 =	simm.s32 $execute0_lowered;
	[smem:$0x3FD2] =	sst s25  }
0xa6: {  	s5 =	sshll.u32 s26, $0x1;
	_ =	strace $0x80000049;
	[dreg:$0x1] =	wrdreg $0xFFFFFFFF  }
0xa7: {  	s28 =	simm.s32 $_size_execute0_lowered;
	s3 =	sadd.s32 s3, s5;
	[dreg:$0x0] =	wrdreg $0x0  }
0xa8: {  	s5 =	sshll.u32 s28, $0x1;
	[dreg:$0x2] =	wrdreg s3  }
0xa9: {  	[dreg:$0x3] =	wrdreg s5  }
0xaa: {  	[dreg:$0x4] =	wrdreg $0xC0  }
0xab: {  	_ =	task [dreg:s7], $0x5FFFF  }
0xac: {  	[dreg:$0x1] =	wrdreg $0xFFFFFFFF  }
0xad: {  	[dreg:$0x0] =	wrdreg $0x60  }
0xae: {  	[dreg:$0x2] =	wrdreg s2  }
0xaf: {  	[dreg:$0x3] =	wrdreg s24  }
0xb0: {  	[dreg:$0x4] =	wrdreg $0x0  }
0xb1: {  	[dreg:$0x5] =	wrdreg $0x9  }
0xb2: {  	_ =	task.clear_ibuf [dreg:s7], $0x6FFFF;
	_ =	strace $0x90000049  }
0xb3: {  	s29 =	simm.s32 $0x9;
	_ =	strace $0x8000004B  }
0xb4: {  	_ =	swait.ge [sflag:s29], $0x1  }
0xb5: {  	[sflag:s29] =	ssyncadd.s32 $0xFFFFFFFF  }
0xb6: {  	_ =	strace $0x9000004B  }
0xb7: {  	_ =	sfence  }
0xb8: {  	s30 =	sld [smem:$0x0];
	_ =	sdelay $0x2  }
0xb9: {  	s31 =	sshll.u32 s1, $0xD;
	s1 =	sshrl.u32 s1, $0x2  }
0xba: {  	s3 =	sand.u32 $0x4000, s31;
	s1 =	sadd.s32 s1, s30  }
0xbb: {  	s0 =	sor.u32 s3, s0;
	s1 =	sshll.u32 s1, $0x11  }
0xbc: {  	s0 =	sor.u32 s1, s0  }
0xbd: {  	s0 =	sadd.s32 $0x8F2B, s0  }
0xbe: {  	[sflag:s0] =	ssyncadd.remote.s32 $0x1  }
0xbf: {  	_ =	sfence.sel $0xFFFF  }
0xc0: {  	[dreg:$0x0] =	wrdreg $0xFFFFFFFF;
	(pc) =	sbr.abs _section_cstart, $3  }
0xc1: {  	[dreg:$0x1] =	wrdreg $0xFFFFFFFF  }
0xc2: {  	_ =	task.clear_ibuf [dreg:s7], $0x2FFFF;
	_ =	strace $0x9FFFFFFF  }
0xc3: {  	(tm) =	ssettm $0x7FFFFFFF  }
tec
execute0_lowered:
.L_overlay_start_1:
0x0: {  	(tag) =	ssettag $0x1  }
0x1: {  	s1 =	rddreg [dreg:$0x0]  }
0x2: {  	s5 =	rddreg [dreg:$0x1]  }
0x3: {  	s6 =	rddreg [dreg:$0x2]  }
0x4: {  	s0 =	rddreg [dreg:$0x3];
	s2 =	simm.s32 $0x0;
	s3 =	srdreg.scid  }
0x5: {  	s15 =	simm.s32 $0x7D;
	s16 =	simm.s32 $0x16800;
	s17 =	simm.s32 $0x1A800  }
0x6: {  	s18 =	simm.s32 $0x1;
	s19 =	simm.s32 $0x2;
	s20 =	simm.s32 $0x15380  }
0x7: {  	[smem:$0x7FF] =	sst s2;
	s8 =	sadd.s32 $0x15200, s5;
	s9 =	sadd.s32 $0xB200, s5  }
0x8: {  	s4 =	sadd.s32 $0x1400, s5;
	s7 =	sand.u32 $0x1, s3;
	s3 =	stileid.u32  }
0x9: {  	_ =	strace $0x8000004A;
	s10 =	smul.u32 $0x28000, s7;
	s11 =	sshll.u32 s7, $0x4  }
0xa: {  	s7 =	ssub.s32 $0x2, s7;
	s12 =	smul.u32 $0x50000, s3;
	s30 =	sshll.u32 s3, $0x6  }
0xb: {  	s22 =	smul.u32 $0x2800, s3;
	s11 =	sor.u32 s3, s11;
	s25 =	sshrl.u32 s7, $0x1  }
0xc: {  	s10 =	sadd.s32 s10, s5;
	s13 =	smul.u32 $0x2800, s11;
	s14 =	ssub.s32 s7, s25  }
0xd: {  	s26 =	sshrl.u32 s12, $0x2;
	s28 =	smul.u32 $0x500, s11;
	s5 =	sor.u32 $0x1C03, s30  }
0xe: {  	s29 =	sadd.s32 s26, s6;
	s21 =	sadd.s32 $0x1F200, s10;
	s10 =	smax.u32 s14, $0x1  }
0xf: {  	s14 =	simm.s32 $0x15400;
	s31 =	sshrl.u32 s13, $0x3;
	s6 =	sadd.s32 s8, s28  }
0x10: {  	s7 =	sadd.s32 s9, s28;
	s11 =	sshrl.u32 s29, $0x3;
	s13 =	simm.s32 $0x14000  }
0x11: {  	s21 =	sadd.s32 s22, s21;
	s22 =	simm.s32 $0x0;
	s12 =	sadd.s32 $0x280, s31  }
0x12: {  	s8 =	sadd.s32 s8, s12;
	s9 =	sadd.s32 s9, s12;
	s12 =	simm.s32 $0x3  }
.LBB2_1:
0x13: {  	[spmem:s11], [sflag:s5] =	dma.local [hbm:s4], $0x2800  }
0x14: {  	_ =	swait.ge [sflag:s12], $0x2800  }
0x15: {  	[sflag:s12] =	ssyncset.done $0x0  }
0x16: {  	[sflag:s12] =	ssyncadd.s32 $0xFFFFD800  }
0x17: {  	[bflag:$0x0] =	sbarrier.arrive $0xFFFF  }
0x18: {  	[tilespmem:s13], [sflag:$0x3] =	stream.linear.gather [hbm4b:s6+s2], $0x1400, $0x38;
	[tilespmem:$0x1E800] =	vst v63  }
0x19: {  	_ =	swait.ge [sflag:s12], $0x1400  }
0x1a: {  	[sflag:s12] =	ssyncset.done $0x0  }
0x1b: {  	[sflag:s12] =	ssyncadd.s32 $0xFFFFEC00  }
0x1c: {  	[tilespmem:s14], [sflag:$0x3] =	stream.linear.gather [hbm4b:s7+s2], $0x1400, $0x38;
	[tilespmem:$0x1E800] =	vst v63  }
0x1d: {  	_ =	swait.ge [sflag:s12], $0x1400  }
0x1e: {  	[sflag:s12] =	ssyncset.done $0x0  }
0x1f: {  	[sflag:s12] =	ssyncadd.s32 $0xFFFFEC00  }
0x20: {  	[tilespmem:s16], [sflag:$0x1] =	stream.indirect.gather [hbm4b:s1+s15], $0x80, s13, s15, $0xb8;
	[tilespmem:$0x1E800] =	vst v63  }
0x21: {  	s23 =	simm.s32 $0x14080  }
0x22: {  	[tilespmem:s17], [sflag:$0x2] =	stream.indirect.gather [hbm4b:s1+s15], $0x80, s23, s15, $0xb8;
	[tilespmem:$0x1E800] =	vst v63  }
0x23: {  	_ =	swait.ge [sflag:s18], $0x3E80  }
0x24: {  	[sflag:s18] =	ssyncset.done $0x0  }
0x25: {  	s31 =	simm.s32 $0x14100;
	[sflag:s18] =	ssyncadd.s32 $0xFFFFC180  }
0x26: {  	[tilespmem:s16], [sflag:$0x1] =	stream.indirect.gather [hbm4b:s1+s15], $0x80, s31, s15, $0xb8;
	[tilespmem:$0x1E800] =	vst v63  }
0x27: {  	_ =	swait.ge [sflag:s19], $0x3E80  }
0x28: {  	s24 =	simm.s32 $0xFFFFBC00;
	s23 =	simm.s32 $0xFFFFEE00;
	[sflag:s19] =	ssyncset.done $0x0  }
.LBB2_2:
0x29: {  	s25 =	sadd.s32 $0x15380, s23  }
0x2a: {  	[sflag:s19] =	ssyncadd.s32 $0xFFFFC180;
	s26 =	smov.u32 s24;
	s28 =	sadd.s32 $0x400, s24  }
0x2b: {  	[tilespmem:s17], [sflag:$0x2] =	stream.indirect.gather [hbm4b:s1+s15], $0x80, s25, s15, $0xb8;
	[tilespmem:$0x1E800] =	vst v63  }
0x2c: {  	p0 =	sne.s32 s24, $0xFFFFFC00;
	_ =	swait.ge [sflag:s18], $0x3E80  }
.Ltmp0:
0x2d: {  	[sflag:s18] =	ssyncset.done $0x0;
	(pc) =	sbr.rel @p0 .LBB2_2-.Ltmp0, $4  }
0x2e: {  	s23 =	sadd.s32 $0x15400, s23;
	[sflag:s18] =	ssyncadd.s32 $0xFFFFC180  }
0x2f: {  	[tilespmem:s16], [sflag:$0x1] =	stream.indirect.gather [hbm4b:s1+s15], $0x80, s23, s15, $0xb8;
	[tilespmem:$0x1E800] =	vst v63  }
0x30: {  	_ =	swait.ge [sflag:s19], $0x3E80  }
0x31: {  	s24 =	smov.u32 s28;
	s23 =	sshra.s32 s26, $0x2;
	[sflag:s19] =	ssyncset.done $0x0  }
0x32: {  	s24 =	sadd.s32 $0x15380, s23;
	[sflag:s19] =	ssyncadd.s32 $0xFFFFC180  }
0x33: {  	[tilespmem:s17], [sflag:$0x2] =	stream.indirect.gather [hbm4b:s1+s15], $0x80, s24, s15, $0xb8;
	[tilespmem:$0x1E800] =	vst v63  }
0x34: {  	_ =	swait.ge [sflag:s18], $0x3E80  }
0x35: {  	[sflag:s18] =	ssyncset.done $0x0  }
0x36: {  	s29 =	sadd.s32 $0x15400, s23;
	[sflag:s18] =	ssyncadd.s32 $0xFFFFC180  }
0x37: {  	[tilespmem:s16], [sflag:$0x1] =	stream.indirect.gather [hbm4b:s1+s15], $0x80, s29, s15, $0xb8;
	[tilespmem:$0x1E800] =	vst v63  }
0x38: {  	_ =	swait.ge [sflag:s19], $0x3E80  }
0x39: {  	[sflag:s19] =	ssyncset.done $0x0  }
0x3a: {  	[sflag:s19] =	ssyncadd.s32 $0xFFFFC180  }
0x3b: {  	[tilespmem:s17], [sflag:$0x2] =	stream.indirect.gather [hbm4b:s1+s15], $0x80, s20, s15, $0xb8;
	[tilespmem:$0x1E800] =	vst v63  }
0x3c: {  	_ =	swait.ge [sflag:s18], $0x3E80  }
0x3d: {  	[sflag:s18] =	ssyncset.done $0x0  }
0x3e: {  	[sflag:s18] =	ssyncadd.s32 $0xFFFFC180  }
0x3f: {  	_ =	swait.ge [sflag:s19], $0x3E80  }
0x40: {  	[sflag:s19] =	ssyncset.done $0x0  }
0x41: {  	[sflag:s19] =	ssyncadd.s32 $0xFFFFC180  }
0x42: {  	[tilespmem:s13], [sflag:$0x3] =	stream.linear.gather [hbm4b:s8+s2], $0x1400, $0x38;
	[tilespmem:$0x1E800] =	vst v63  }
0x43: {  	_ =	swait.ge [sflag:s12], $0x1400  }
0x44: {  	[sflag:s12] =	ssyncset.done $0x0  }
0x45: {  	[sflag:s12] =	ssyncadd.s32 $0xFFFFEC00  }
0x46: {  	[tilespmem:s14], [sflag:$0x3] =	stream.linear.gather [hbm4b:s9+s2], $0x1400, $0x38;
	[tilespmem:$0x1E800] =	vst v63  }
0x47: {  	_ =	swait.ge [sflag:s12], $0x1400  }
0x48: {  	[sflag:s12] =	ssyncset.done $0x0  }
0x49: {  	[sflag:s12] =	ssyncadd.s32 $0xFFFFEC00  }
0x4a: {  	[tilespmem:s16], [sflag:$0x1] =	stream.indirect.gather [hbm4b:s1+s15], $0x80, s13, s15, $0xb8;
	[tilespmem:$0x1E800] =	vst v63  }
0x4b: {  	s30 =	simm.s32 $0x14080  }
0x4c: {  	[tilespmem:s17], [sflag:$0x2] =	stream.indirect.gather [hbm4b:s1+s15], $0x80, s30, s15, $0xb8;
	[tilespmem:$0x1E800] =	vst v63  }
0x4d: {  	_ =	swait.ge [sflag:s18], $0x3E80  }
0x4e: {  	[sflag:s18] =	ssyncset.done $0x0  }
0x4f: {  	s31 =	simm.s32 $0x14100;
	[sflag:s18] =	ssyncadd.s32 $0xFFFFC180  }
0x50: {  	[tilespmem:s16], [sflag:$0x1] =	stream.indirect.gather [hbm4b:s1+s15], $0x80, s31, s15, $0xb8;
	[tilespmem:$0x1E800] =	vst v63  }
0x51: {  	_ =	swait.ge [sflag:s19], $0x3E80  }
0x52: {  	s23 =	simm.s32 $0xFFFFEE00;
	s24 =	simm.s32 $0xFFFFBC00;
	[sflag:s19] =	ssyncset.done $0x0  }
.LBB2_4:
0x53: {  	s25 =	sadd.s32 $0x15380, s23  }
0x54: {  	[sflag:s19] =	ssyncadd.s32 $0xFFFFC180;
	s26 =	smov.u32 s24;
	s28 =	sadd.s32 $0x400, s24  }
0x55: {  	[tilespmem:s17], [sflag:$0x2] =	stream.indirect.gather [hbm4b:s1+s15], $0x80, s25, s15, $0xb8;
	[tilespmem:$0x1E800] =	vst v63  }
0x56: {  	p0 =	sne.s32 s24, $0xFFFFFC00;
	_ =	swait.ge [sflag:s18], $0x3E80  }
.Ltmp1:
0x57: {  	[sflag:s18] =	ssyncset.done $0x0;
	(pc) =	sbr.rel @p0 .LBB2_4-.Ltmp1, $4  }
0x58: {  	s23 =	sadd.s32 $0x15400, s23;
	[sflag:s18] =	ssyncadd.s32 $0xFFFFC180  }
0x59: {  	[tilespmem:s16], [sflag:$0x1] =	stream.indirect.gather [hbm4b:s1+s15], $0x80, s23, s15, $0xb8;
	[tilespmem:$0x1E800] =	vst v63  }
0x5a: {  	_ =	swait.ge [sflag:s19], $0x3E80  }
0x5b: {  	s24 =	smov.u32 s28;
	s23 =	sshra.s32 s26, $0x2;
	[sflag:s19] =	ssyncset.done $0x0  }
0x5c: {  	s24 =	sadd.s32 $0x15380, s23;
	[sflag:s19] =	ssyncadd.s32 $0xFFFFC180  }
0x5d: {  	[tilespmem:s17], [sflag:$0x2] =	stream.indirect.gather [hbm4b:s1+s15], $0x80, s24, s15, $0xb8;
	[tilespmem:$0x1E800] =	vst v63  }
0x5e: {  	_ =	swait.ge [sflag:s18], $0x3E80  }
0x5f: {  	[sflag:s18] =	ssyncset.done $0x0  }
0x60: {  	s31 =	sadd.s32 $0x15400, s23;
	[sflag:s18] =	ssyncadd.s32 $0xFFFFC180  }
0x61: {  	[tilespmem:s16], [sflag:$0x1] =	stream.indirect.gather [hbm4b:s1+s15], $0x80, s31, s15, $0xb8;
	[tilespmem:$0x1E800] =	vst v63  }
0x62: {  	_ =	swait.ge [sflag:s19], $0x3E80  }
0x63: {  	[sflag:s19] =	ssyncset.done $0x0  }
0x64: {  	[sflag:s19] =	ssyncadd.s32 $0xFFFFC180  }
0x65: {  	[tilespmem:s17], [sflag:$0x2] =	stream.indirect.gather [hbm4b:s1+s15], $0x80, s20, s15, $0xb8;
	[tilespmem:$0x1E800] =	vst v63  }
0x66: {  	_ =	swait.ge [sflag:s18], $0x3E80  }
0x67: {  	[sflag:s18] =	ssyncset.done $0x0  }
0x68: {  	[sflag:s18] =	ssyncadd.s32 $0xFFFFC180  }
0x69: {  	_ =	swait.ge [sflag:s19], $0x3E80  }
0x6a: {  	s22 =	sadd.s32 $0x1, s22;
	[sflag:s19] =	ssyncset.done $0x0  }
0x6b: {  	p0 =	sne.s32 s22, s10;
	[sflag:s19] =	ssyncadd.s32 $0xFFFFC180  }
.Ltmp2:
0x6c: {  	[bflag:$0x0] =	sbarrier.arrive $0xFFFF;
	(pc) =	sbr.rel @p0 .LBB2_1-.Ltmp2, $4  }
0x6d: {  	[hbm:s21], [sflag:s5] =	dma.local [spmem:s11], $0x2800  }
0x6e: {  	_ =	swait.ge [sflag:s12], $0x2800  }
0x6f: {  	[sflag:s12] =	ssyncset.done $0x0  }
0x70: {  	[sflag:s12] =	ssyncadd.s32 $0xFFFFD800  }
0x71: {  	_ =	sfence.sel $0x180000  }
0x72: {  	[bflag:$0x0] =	sbarrier.arrive $0xFFFF  }
0x73: {  	p0 =	sne.s32 s3, $0x0;
	_ =	strace $0x9000004A  }
0x74: {  	s0 =	sadd.s32 @!p0 $0x100000, s0;
	[bflag:$0x2] =	sbarrier.arrive $0xFFFF  }
0x75: {  	[sflag:s0] =	ssyncadd.tile.s32 @!p0 $0x1;
	_ =	shalt  }
.Lfunc_end2:
_tile_overlayer_lowered:
.L_overlay_start_2:
0x76: {  	(tag) =	ssettag $0x2  }
0x77: {  	s0 =	rddreg [dreg:$0x0];
	s2 =	stileid.u32  }
0x78: {  	s1 =	rddreg [dreg:$0x1];
	p0 =	sne.s32 s2, $0x0  }
0x79: {  	s3 =	rddreg [dreg:$0x2];
	[bflag:$0x3] =	sbarrier.arrive $0xFFFF;
	s2 =	simm.s32 @!p0 $0x1C03  }
0x7a: {  	[timem:s3], [sflag:s2] =	dma.local @!p0 [hbm:s0], s1  }
0x7b: {  	s0 =	simm.s32 @!p0 $0x3  }
0x7c: {  	_ =	swait.ge @!p0 [sflag:s0], s1  }
0x7d: {  	s1 =	ssub.s32 @!p0 $0x0, s1;
	[sflag:s0] =	ssyncset.done @!p0 $0x0  }
0x7e: {  	[sflag:s0] =	ssyncadd.s32 @!p0 s1  }
0x7f: {  	[bflag:$0x3] =	sbarrier.arrive $0xFFFF  }
0x80: {  	_ =	shalt  }

</sc_bundles>
